<compile_context>
chip_gen: v7x
topology: tpu7x:2x2x1
jax: 0.10.2.dev20260603
libtpu: 0.0.44.dev20260713+nightly
codegen_flags: <defaults>
</compile_context>

<pallas_src>
import functools

import jax
import jax.numpy as jnp
from jax import lax
from jax.experimental import pallas as pl
from jax.experimental.pallas import tpu as pltpu
from jax.experimental.pallas import tpu_sc as plsc

_WINDOW = 12


def kernel(scan, row_weight, col_weight, depth_weight):
    d, em, h, w = scan.shape
    info = plsc.get_sparse_core_info()
    nc, ns = info.num_cores, info.num_subcores
    nw = nc * ns
    per_w = (d * h) // nw
    h_per_w = h // nw
    dq = nw // d
    h_per_dq = h // dq
    mesh = plsc.VectorSubcoreMesh(core_axis_name="c", subcore_axis_name="s")

    @functools.partial(
        pl.kernel, mesh=mesh,
        compiler_params=pltpu.CompilerParams(use_tc_tiling_on_sc=False),
        out_type=jax.ShapeDtypeStruct((d, h, w, 192), jnp.float32),
        scratch_types=[
            pltpu.VMEM((w, 64), jnp.float32),
            pltpu.VMEM((h, 64), jnp.float32),
            pltpu.VMEM((d, 64), jnp.float32),
            pltpu.VMEM((w, 64), jnp.float32),
            pltpu.VMEM((w, 64), jnp.float32),
            pltpu.SemaphoreType.DMA((3,)),
        ],
    )
    def sc_k(row_hbm, col_hbm, depth_hbm, out_hbm, col_v, rowtab_v, depthtab_v,
             rowsplat_v, depthsplat_v, sems):
        wid = lax.axis_index("s") * nc + lax.axis_index("c")
        pltpu.sync_copy(col_hbm.at[pl.ds(0, w)], col_v)
        pltpu.sync_copy(row_hbm.at[pl.ds(0, h)], rowtab_v)
        pltpu.sync_copy(depth_hbm.at[pl.ds(0, d)], depthtab_v)

        def col_dst(s):
            di = s // h
            hi = s - di * h
            return out_hbm.at[di, hi, :, pl.ds(0, 64)]

        def col_copy(s):
            return pltpu.make_async_copy(col_v, col_dst(s), sems.at[0])

        base = wid * per_w

        def col_loop(i, carry):
            col_copy(base + i).start()

            @pl.when(i >= _WINDOW)
            def _():
                col_copy(base + i).wait()
            return carry

        lax.fori_loop(0, per_w, col_loop, 0)
        for j in range(_WINDOW):
            col_copy(base + j).wait()

        def row_copy(hi, di):
            return pltpu.make_async_copy(
                rowsplat_v, out_hbm.at[di, hi, :, pl.ds(64, 64)], sems.at[1])

        def row_h(j, carry):
            hi = wid * h_per_w + j
            r = [rowtab_v[hi, pl.ds(k * 16, 16)] for k in range(4)]

            def fill(ww, c2):
                for k in range(4):
                    rowsplat_v[ww, pl.ds(k * 16, 16)] = r[k]
                return c2

            lax.fori_loop(0, w, fill, 0)
            for di in range(d):
                row_copy(hi, di).start()
            for di in range(d):
                row_copy(hi, di).wait()
            return carry

        lax.fori_loop(0, h_per_w, row_h, 0)

        dmine = lax.rem(wid, d)
        q = wid // d
        dpv = [depthtab_v[dmine, pl.ds(k * 16, 16)] for k in range(4)]

        def dfill(ww, c2):
            for k in range(4):
                depthsplat_v[ww, pl.ds(k * 16, 16)] = dpv[k]
            return c2

        lax.fori_loop(0, w, dfill, 0)

        def depth_copy(hi):
            return pltpu.make_async_copy(
                depthsplat_v, out_hbm.at[dmine, hi, :, pl.ds(128, 64)],
                sems.at[2])

        def depth_loop(i, carry):
            depth_copy(q * h_per_dq + i).start()

            @pl.when(i >= _WINDOW)
            def _():
                depth_copy(q * h_per_dq + i).wait()
            return carry

        lax.fori_loop(0, h_per_dq, depth_loop, 0)
        for j in range(_WINDOW):
            depth_copy(q * h_per_dq + j).wait()

    return sc_k(row_weight, col_weight, depth_weight)

# --- scband reference (transcript-rebuilt; emitter-appended) ---
"""Pipeline reference for scband-learned-positional-embedding3-d-31808527794684 (READ-ONLY COPY).

The authoritative reference and input builder live on the scoring server;
editing this copy changes nothing except your own understanding.
"""

import jax, jax.numpy as jnp
import numpy as np


def setup_inputs(seed: int = 0) -> dict:
    key = jax.random.key(seed)
    k1, k2, k3, k4 = jax.random.split(key, 4)
    # scan: only its shape (d, em, h, w) is consumed by the module
    scan = jax.random.normal(k1, (8, 1, 224, 224), dtype=jnp.float32)
    # embedding_dim = 192, 192 % 3 == 0 -> each sub-embedding has 192 // 3 = 64 dims
    # row_embed: nn.Embedding(max_width=256, 64)
    # col_embed: nn.Embedding(max_height=256, 64)
    # depth_embed: nn.Embedding(max_depth=40, 64)
    row_weight = jax.random.uniform(k2, (256, 64), dtype=jnp.float32)
    col_weight = jax.random.uniform(k3, (256, 64), dtype=jnp.float32)
    depth_weight = jax.random.uniform(k4, (40, 64), dtype=jnp.float32)
    return {"scan": scan, "row_weight": row_weight, "col_weight": col_weight, "depth_weight": depth_weight}


def reference(scan, row_weight, col_weight, depth_weight):
    d, em, h, w = scan.shape
    i = jnp.arange(w)
    j = jnp.arange(h)
    k = jnp.arange(d)
    # embedding lookups (gathers)
    x_emb = jnp.take(col_weight, i, axis=0)    # [w, 64]
    y_emb = jnpp_take = jnp.take(row_weight, j, axis=0)    # [h, 64]
    z_emb = jnp.take(depth_weight, k, axis=0)  # [d, 64]
    # replicate to the full (d, h, w, *) grid, matching torch repeat semantics
    x_part = jnp.broadcast_to(x_emb[None, None, :, :], (d, h, w, x_emb.shape[-1]))
    y_part = jnp.broadcast_to(y_emb[None, :, None, :], (d, h, w, y_emb.shape[-1]))
    z_part = jnp.broadcast_to(z_emb[:, None, None, :], (d, h, w, z_emb.shape[-1]))
    pos = jnp.concatenate([x_part, y_part, z_part], axis=-1)  # [d, h, w, 192]
    return pos

if __name__ == "__main__":
    import jax
    _d = setup_inputs()
    print(jax.jit(kernel)(*tuple(_d.values())))

</pallas_src>

<mosaic_0001>
#map = affine_map<(d0, d1) -> (0, 0)>
#map1 = affine_map<(d0, d1) -> (0, 0, 0, 0)>
module attributes {stable_mosaic.version = 14 : i64} {
  func.func @sc_k(%arg0: i32, %arg1: i32, %arg2: memref<256x64xf32, #tpu.memory_space<hbm>>, %arg3: memref<256x64xf32, #tpu.memory_space<hbm>>, %arg4: memref<40x64xf32, #tpu.memory_space<hbm>>, %arg5: memref<8x224x224x192xf32, #tpu.memory_space<hbm>>, %arg6: memref<224x64xf32, #tpu.memory_space<vmem>>, %arg7: memref<224x64xf32, #tpu.memory_space<vmem>>, %arg8: memref<8x64xf32, #tpu.memory_space<vmem>>, %arg9: memref<224x64xf32, #tpu.memory_space<vmem>>, %arg10: memref<224x64xf32, #tpu.memory_space<vmem>>, %arg11: memref<3x!tpu.dma_semaphore, #tpu.memory_space<semaphore_mem>>) attributes {dimension_semantics = [#tpu.dimension_semantics<core_parallel>, #tpu.dimension_semantics<subcore_parallel>], iteration_bounds = array<i64: 2, 16>, scalar_prefetch = 0 : i64, scratch_operands = 6 : i64, tpu.core_type = #tpu.core_type<sc_vector_subcore>, window_params = [{transform_indices = #map}, {transform_indices = #map}, {transform_indices = #map}, {transform_indices = #map1}]} {
    %mul3A = arith.constant 2 : i32
    %mul3A_0 = arith.muli %arg1, %mul3A : i32
    %add3A = arith.addi %mul3A_0, %arg0 : i32
    "tpu.region"() ({
      %run_scoped3A = tpu.sem_alloc : memref<!tpu.dma_semaphore, #tpu.memory_space<semaphore_mem>>
      %dma_start3A = arith.constant 0 : i32
      %dma_start3A_718 = arith.constant 0 : i32
      %dma_start3A_719 = tpu.memref_slice %arg3[%dma_start3A, %dma_start3A_718] : memref<256x64xf32, #tpu.memory_space<hbm>> -> memref<224x64xf32, #tpu.memory_space<hbm>>
      %dma_start3A_720 = arith.constant 0 : i32
      %dma_start3A_721 = arith.constant 0 : i32
      %dma_start3A_722 = tpu.memref_slice %arg3[%dma_start3A_720, %dma_start3A_721] : memref<256x64xf32, #tpu.memory_space<hbm>> -> memref<224x64xf32, #tpu.memory_space<hbm>>
      tpu.enqueue_dma source(%dma_start3A_722 : memref<224x64xf32, #tpu.memory_space<hbm>>) target(%arg6 : memref<224x64xf32, #tpu.memory_space<vmem>>) target_semaphore(%run_scoped3A : memref<!tpu.dma_semaphore, #tpu.memory_space<semaphore_mem>>)
      %dma_wait3A_723 = arith.constant 0 : i32
      %dma_wait3A_724 = arith.constant 0 : i32
      %dma_wait3A_725 = tpu.memref_slice %arg3[%dma_wait3A_723, %dma_wait3A_724] : memref<256x64xf32, #tpu.memory_space<hbm>> -> memref<224x64xf32, #tpu.memory_space<hbm>>
      %dma_wait3A_726 = arith.constant 0 : i32
      %dma_wait3A_727 = arith.constant 0 : i32
      %dma_wait3A_728 = tpu.memref_slice %arg3[%dma_wait3A_726, %dma_wait3A_727] : memref<256x64xf32, #tpu.memory_space<hbm>> -> memref<224x64xf32, #tpu.memory_space<hbm>>
      tpu.wait_dma2 semaphore(%run_scoped3A : memref<!tpu.dma_semaphore, #tpu.memory_space<semaphore_mem>>) src(%dma_wait3A_728 : memref<224x64xf32, #tpu.memory_space<hbm>>) dst(%arg6 : memref<224x64xf32, #tpu.memory_space<vmem>>)
      tpu.yield
    }) : () -> ()
    "tpu.region"() ({
      %run_scoped3A = tpu.sem_alloc : memref<!tpu.dma_semaphore, #tpu.memory_space<semaphore_mem>>
      %dma_start3A = arith.constant 0 : i32
      %dma_start3A_718 = arith.constant 0 : i32
      %dma_start3A_719 = tpu.memref_slice %arg2[%dma_start3A, %dma_start3A_718] : memref<256x64xf32, #tpu.memory_space<hbm>> -> memref<224x64xf32, #tpu.memory_space<hbm>>
      %dma_start3A_720 = arith.constant 0 : i32
      %dma_start3A_721 = arith.constant 0 : i32
      %dma_start3A_722 = tpu.memref_slice %arg2[%dma_start3A_720, %dma_start3A_721] : memref<256x64xf32, #tpu.memory_space<hbm>> -> memref<224x64xf32, #tpu.memory_space<hbm>>
      tpu.enqueue_dma source(%dma_start3A_722 : memref<224x64xf32, #tpu.memory_space<hbm>>) target(%arg7 : memref<224x64xf32, #tpu.memory_space<vmem>>) target_semaphore(%run_scoped3A : memref<!tpu.dma_semaphore, #tpu.memory_space<semaphore_mem>>)
      %dma_wait3A_723 = arith.constant 0 : i32
      %dma_wait3A_724 = arith.constant 0 : i32
      %dma_wait3A_725 = tpu.memref_slice %arg2[%dma_wait3A_723, %dma_wait3A_724] : memref<256x64xf32, #tpu.memory_space<hbm>> -> memref<224x64xf32, #tpu.memory_space<hbm>>
      %dma_wait3A_726 = arith.constant 0 : i32
      %dma_wait3A_727 = arith.constant 0 : i32
      %dma_wait3A_728 = tpu.memref_slice %arg2[%dma_wait3A_726, %dma_wait3A_727] : memref<256x64xf32, #tpu.memory_space<hbm>> -> memref<224x64xf32, #tpu.memory_space<hbm>>
      tpu.wait_dma2 semaphore(%run_scoped3A : memref<!tpu.dma_semaphore, #tpu.memory_space<semaphore_mem>>) src(%dma_wait3A_728 : memref<224x64xf32, #tpu.memory_space<hbm>>) dst(%arg7 : memref<224x64xf32, #tpu.memory_space<vmem>>)
      tpu.yield
    }) : () -> ()
    "tpu.region"() ({
      %run_scoped3A = tpu.sem_alloc : memref<!tpu.dma_semaphore, #tpu.memory_space<semaphore_mem>>
      %dma_start3A = arith.constant 0 : i32
      %dma_start3A_718 = arith.constant 0 : i32
      %dma_start3A_719 = tpu.memref_slice %arg4[%dma_start3A, %dma_start3A_718] : memref<40x64xf32, #tpu.memory_space<hbm>> -> memref<8x64xf32, #tpu.memory_space<hbm>>
      %dma_start3A_720 = arith.constant 0 : i32
      %dma_start3A_721 = arith.constant 0 : i32
      %dma_start3A_722 = tpu.memref_slice %arg4[%dma_start3A_720, %dma_start3A_721] : memref<40x64xf32, #tpu.memory_space<hbm>> -> memref<8x64xf32, #tpu.memory_space<hbm>>
      tpu.enqueue_dma source(%dma_start3A_722 : memref<8x64xf32, #tpu.memory_space<hbm>>) target(%arg8 : memref<8x64xf32, #tpu.memory_space<vmem>>) target_semaphore(%run_scoped3A : memref<!tpu.dma_semaphore, #tpu.memory_space<semaphore_mem>>)
      %dma_wait3A_723 = arith.constant 0 : i32
      %dma_wait3A_724 = arith.constant 0 : i32
      %dma_wait3A_725 = tpu.memref_slice %arg4[%dma_wait3A_723, %dma_wait3A_724] : memref<40x64xf32, #tpu.memory_space<hbm>> -> memref<8x64xf32, #tpu.memory_space<hbm>>
      %dma_wait3A_726 = arith.constant 0 : i32
      %dma_wait3A_727 = arith.constant 0 : i32
      %dma_wait3A_728 = tpu.memref_slice %arg4[%dma_wait3A_726, %dma_wait3A_727] : memref<40x64xf32, #tpu.memory_space<hbm>> -> memref<8x64xf32, #tpu.memory_space<hbm>>
      tpu.wait_dma2 semaphore(%run_scoped3A : memref<!tpu.dma_semaphore, #tpu.memory_space<semaphore_mem>>) src(%dma_wait3A_728 : memref<8x64xf32, #tpu.memory_space<hbm>>) dst(%arg8 : memref<8x64xf32, #tpu.memory_space<vmem>>)
      tpu.yield
    }) : () -> ()
    %mul3A_1 = arith.constant 56 : i32
    %mul3A_2 = arith.muli %add3A, %mul3A_1 : i32
    %scan3A = arith.constant 0 : i32
    %scan3A_3 = arith.constant 0 : i32
    %scan3A_4 = arith.constant 56 : i32
    %scan3A_5 = arith.addi %scan3A_3, %scan3A_4 : i32
    %scan3A_6 = arith.constant 1 : i32
    scf.for %scan3A_718 = %scan3A_3 to %scan3A_5 step %scan3A_6  : i32 {
      %add3A_719 = arith.addi %mul3A_2, %scan3A_718 : i32
      %jit3A_720 = arith.constant 224 : i32
      %div3A_721 = arith.divsi %add3A_719, %jit3A_720 : i32
      %sign3A_722 = arith.constant 0 : i32
      %sign3A_723 = arith.cmpi sgt, %add3A_719, %sign3A_722 : i32
      %sign3A_724 = arith.extui %sign3A_723 : i1 to i32
      %sign3A_725 = arith.constant 0 : i32
      %sign3A_726 = arith.cmpi slt, %add3A_719, %sign3A_725 : i32
      %sign3A_727 = arith.extui %sign3A_726 : i1 to i32
      %sign3A_728 = arith.subi %sign3A_724, %sign3A_727 : i32
      %sign3A_729 = arith.constant 0 : i32
      %sign3A_730 = arith.cmpi sgt, %jit3A_720, %sign3A_729 : i32
      %sign3A_731 = arith.extui %sign3A_730 : i1 to i32
      %sign3A_732 = arith.constant 0 : i32
      %sign3A_733 = arith.cmpi slt, %jit3A_720, %sign3A_732 : i32
      %sign3A_734 = arith.extui %sign3A_733 : i1 to i32
      %sign3A_735 = arith.subi %sign3A_731, %sign3A_734 : i32
      %ne3A_736 = arith.cmpi ne, %sign3A_728, %sign3A_735 : i32
      %rem3A_737 = arith.remsi %add3A_719, %jit3A_720 : i32
      %ne3A_738 = arith.constant 0 : i32
      %ne3A_739 = arith.cmpi ne, %rem3A_737, %ne3A_738 : i32
      %and3A_740 = arith.andi %ne3A_736, %ne3A_739 : i1
      %sub3A_741 = arith.constant 1 : i32
      %sub3A_742 = arith.subi %div3A_721, %sub3A_741 : i32
      %select_n3A_743 = arith.select %and3A_740, %sub3A_742, %div3A_721 : i32
      %mul3A_744 = arith.constant 224 : i32
      %mul3A_745 = arith.muli %select_n3A_743, %mul3A_744 : i32
      %sub3A_746 = arith.subi %add3A_719, %mul3A_745 : i32
      %dma_start3A = arith.constant 0 : i32
      %dma_start3A_747 = arith.constant 0 : i32
      %dma_start3A_748 = arith.constant 0 : i32
      %dma_start3A_749 = tpu.memref_slice %arg5[%select_n3A_743, %sub3A_746, %dma_start3A_747, %dma_start3A_748] : memref<8x224x224x192xf32, #tpu.memory_space<hbm>> -> memref<1x1x224x64xf32, #tpu.memory_space<hbm>>
      %dma_start3A_750 = tpu.memref_squeeze %dma_start3A_749 : memref<1x1x224x64xf32, #tpu.memory_space<hbm>> -> memref<224x64xf32, #tpu.memory_space<hbm>>
      %dma_start3A_751 = tpu.memref_slice %arg11[%dma_start3A] : memref<3x!tpu.dma_semaphore, #tpu.memory_space<semaphore_mem>> -> memref<1x!tpu.dma_semaphore, #tpu.memory_space<semaphore_mem>>
      %dma_start3A_752 = tpu.memref_squeeze %dma_start3A_751 : memref<1x!tpu.dma_semaphore, #tpu.memory_space<semaphore_mem>> -> memref<!tpu.dma_semaphore, #tpu.memory_space<semaphore_mem>>
      %dma_start3A_753 = arith.constant 0 : i32
      %dma_start3A_754 = arith.constant 0 : i32
      %dma_start3A_755 = tpu.memref_slice %arg5[%select_n3A_743, %sub3A_746, %dma_start3A_753, %dma_start3A_754] : memref<8x224x224x192xf32, #tpu.memory_space<hbm>> -> memref<1x1x224x64xf32, #tpu.memory_space<hbm>>
      %dma_start3A_756 = tpu.memref_squeeze %dma_start3A_755 : memref<1x1x224x64xf32, #tpu.memory_space<hbm>> -> memref<224x64xf32, #tpu.memory_space<hbm>>
      tpu.enqueue_dma source(%arg6 : memref<224x64xf32, #tpu.memory_space<vmem>>) target(%dma_start3A_756 : memref<224x64xf32, #tpu.memory_space<hbm>>) target_semaphore(%dma_start3A_752 : memref<!tpu.dma_semaphore, #tpu.memory_space<semaphore_mem>>)
      %ge3A = arith.constant 12 : i32
      %ge3A_757 = arith.cmpi sge, %scan3A_718, %ge3A : i32
      %convert_element_type3A = arith.extui %ge3A_757 : i1 to i32
      %cond3A = arith.constant 0 : i32
      %cond3A_758 = arith.cmpi ne, %convert_element_type3A, %cond3A : i32
      scf.if %cond3A_758 {
        %add3A_759 = arith.addi %mul3A_2, %scan3A_718 : i32
        %jit3A_760 = arith.constant 224 : i32
        %div3A_761 = arith.divsi %add3A_759, %jit3A_760 : i32
        %sign3A_762 = arith.constant 0 : i32
        %sign3A_763 = arith.cmpi sgt, %add3A_759, %sign3A_762 : i32
        %sign3A_764 = arith.extui %sign3A_763 : i1 to i32
        %sign3A_765 = arith.constant 0 : i32
        %sign3A_766 = arith.cmpi slt, %add3A_759, %sign3A_765 : i32
        %sign3A_767 = arith.extui %sign3A_766 : i1 to i32
        %sign3A_768 = arith.subi %sign3A_764, %sign3A_767 : i32
        %sign3A_769 = arith.constant 0 : i32
        %sign3A_770 = arith.cmpi sgt, %jit3A_760, %sign3A_769 : i32
        %sign3A_771 = arith.extui %sign3A_770 : i1 to i32
        %sign3A_772 = arith.constant 0 : i32
        %sign3A_773 = arith.cmpi slt, %jit3A_760, %sign3A_772 : i32
        %sign3A_774 = arith.extui %sign3A_773 : i1 to i32
        %sign3A_775 = arith.subi %sign3A_771, %sign3A_774 : i32
        %ne3A_776 = arith.cmpi ne, %sign3A_768, %sign3A_775 : i32
        %rem3A_777 = arith.remsi %add3A_759, %jit3A_760 : i32
        %ne3A_778 = arith.constant 0 : i32
        %ne3A_779 = arith.cmpi ne, %rem3A_777, %ne3A_778 : i32
        %and3A_780 = arith.andi %ne3A_776, %ne3A_779 : i1
        %sub3A_781 = arith.constant 1 : i32
        %sub3A_782 = arith.subi %div3A_761, %sub3A_781 : i32
        %select_n3A_783 = arith.select %and3A_780, %sub3A_782, %div3A_761 : i32
        %mul3A_784 = arith.constant 224 : i32
        %mul3A_785 = arith.muli %select_n3A_783, %mul3A_784 : i32
        %sub3A_786 = arith.subi %add3A_759, %mul3A_785 : i32
        %dma_wait3A_787 = arith.constant 0 : i32
        %dma_wait3A_788 = arith.constant 0 : i32
        %dma_wait3A_789 = arith.constant 0 : i32
        %dma_wait3A_790 = tpu.memref_slice %arg5[%select_n3A_783, %sub3A_786, %dma_wait3A_788, %dma_wait3A_789] : memref<8x224x224x192xf32, #tpu.memory_space<hbm>> -> memref<1x1x224x64xf32, #tpu.memory_space<hbm>>
        %dma_wait3A_791 = tpu.memref_squeeze %dma_wait3A_790 : memref<1x1x224x64xf32, #tpu.memory_space<hbm>> -> memref<224x64xf32, #tpu.memory_space<hbm>>
        %dma_wait3A_792 = tpu.memref_slice %arg11[%dma_wait3A_787] : memref<3x!tpu.dma_semaphore, #tpu.memory_space<semaphore_mem>> -> memref<1x!tpu.dma_semaphore, #tpu.memory_space<semaphore_mem>>
        %dma_wait3A_793 = tpu.memref_squeeze %dma_wait3A_792 : memref<1x!tpu.dma_semaphore, #tpu.memory_space<semaphore_mem>> -> memref<!tpu.dma_semaphore, #tpu.memory_space<semaphore_mem>>
        %dma_wait3A_794 = arith.constant 0 : i32
        %dma_wait3A_795 = arith.constant 0 : i32
        %dma_wait3A_796 = tpu.memref_slice %arg5[%select_n3A_783, %sub3A_786, %dma_wait3A_794, %dma_wait3A_795] : memref<8x224x224x192xf32, #tpu.memory_space<hbm>> -> memref<1x1x224x64xf32, #tpu.memory_space<hbm>>
        %dma_wait3A_797 = tpu.memref_squeeze %dma_wait3A_796 : memref<1x1x224x64xf32, #tpu.memory_space<hbm>> -> memref<224x64xf32, #tpu.memory_space<hbm>>
        tpu.wait_dma2 semaphore(%dma_wait3A_793 : memref<!tpu.dma_semaphore, #tpu.memory_space<semaphore_mem>>) src(%arg6 : memref<224x64xf32, #tpu.memory_space<vmem>>) dst(%dma_wait3A_797 : memref<224x64xf32, #tpu.memory_space<hbm>>)
      } else {
      }
    }
    %scan3A_7 = arith.constant 56 : i32
    %add3A_8 = arith.constant 0 : i32
    %add3A_9 = arith.addi %mul3A_2, %add3A_8 : i32
    %jit3A = arith.constant 224 : i32
    %div3A = arith.divsi %add3A_9, %jit3A : i32
    %sign3A = arith.constant 0 : i32
    %sign3A_10 = arith.cmpi sgt, %add3A_9, %sign3A : i32
    %sign3A_11 = arith.extui %sign3A_10 : i1 to i32
    %sign3A_12 = arith.constant 0 : i32
    %sign3A_13 = arith.cmpi slt, %add3A_9, %sign3A_12 : i32
    %sign3A_14 = arith.extui %sign3A_13 : i1 to i32
    %sign3A_15 = arith.subi %sign3A_11, %sign3A_14 : i32
    %sign3A_16 = arith.constant 0 : i32
    %sign3A_17 = arith.cmpi sgt, %jit3A, %sign3A_16 : i32
    %sign3A_18 = arith.extui %sign3A_17 : i1 to i32
    %sign3A_19 = arith.constant 0 : i32
    %sign3A_20 = arith.cmpi slt, %jit3A, %sign3A_19 : i32
    %sign3A_21 = arith.extui %sign3A_20 : i1 to i32
    %sign3A_22 = arith.subi %sign3A_18, %sign3A_21 : i32
    %ne3A = arith.cmpi ne, %sign3A_15, %sign3A_22 : i32
    %rem3A = arith.remsi %add3A_9, %jit3A : i32
    %ne3A_23 = arith.constant 0 : i32
    %ne3A_24 = arith.cmpi ne, %rem3A, %ne3A_23 : i32
    %and3A = arith.andi %ne3A, %ne3A_24 : i1
    %sub3A = arith.constant 1 : i32
    %sub3A_25 = arith.subi %div3A, %sub3A : i32
    %select_n3A = arith.select %and3A, %sub3A_25, %div3A : i32
    %mul3A_26 = arith.constant 224 : i32
    %mul3A_27 = arith.muli %select_n3A, %mul3A_26 : i32
    %sub3A_28 = arith.subi %add3A_9, %mul3A_27 : i32
    %dma_wait3A = arith.constant 0 : i32
    %dma_wait3A_29 = arith.constant 0 : i32
    %dma_wait3A_30 = arith.constant 0 : i32
    %dma_wait3A_31 = tpu.memref_slice %arg5[%select_n3A, %sub3A_28, %dma_wait3A_29, %dma_wait3A_30] : memref<8x224x224x192xf32, #tpu.memory_space<hbm>> -> memref<1x1x224x64xf32, #tpu.memory_space<hbm>>
    %dma_wait3A_32 = tpu.memref_squeeze %dma_wait3A_31 : memref<1x1x224x64xf32, #tpu.memory_space<hbm>> -> memref<224x64xf32, #tpu.memory_space<hbm>>
    %dma_wait3A_33 = tpu.memref_slice %arg11[%dma_wait3A] : memref<3x!tpu.dma_semaphore, #tpu.memory_space<semaphore_mem>> -> memref<1x!tpu.dma_semaphore, #tpu.memory_space<semaphore_mem>>
    %dma_wait3A_34 = tpu.memref_squeeze %dma_wait3A_33 : memref<1x!tpu.dma_semaphore, #tpu.memory_space<semaphore_mem>> -> memref<!tpu.dma_semaphore, #tpu.memory_space<semaphore_mem>>
    %dma_wait3A_35 = arith.constant 0 : i32
    %dma_wait3A_36 = arith.constant 0 : i32
    %dma_wait3A_37 = tpu.memref_slice %arg5[%select_n3A, %sub3A_28, %dma_wait3A_35, %dma_wait3A_36] : memref<8x224x224x192xf32, #tpu.memory_space<hbm>> -> memref<1x1x224x64xf32, #tpu.memory_space<hbm>>
    %dma_wait3A_38 = tpu.memref_squeeze %dma_wait3A_37 : memref<1x1x224x64xf32, #tpu.memory_space<hbm>> -> memref<224x64xf32, #tpu.memory_space<hbm>>
    tpu.wait_dma2 semaphore(%dma_wait3A_34 : memref<!tpu.dma_semaphore, #tpu.memory_space<semaphore_mem>>) src(%arg6 : memref<224x64xf32, #tpu.memory_space<vmem>>) dst(%dma_wait3A_38 : memref<224x64xf32, #tpu.memory_space<hbm>>)
    %add3A_39 = arith.constant 1 : i32
    %add3A_40 = arith.addi %mul3A_2, %add3A_39 : i32
    %jit3A_41 = arith.constant 224 : i32
    %div3A_42 = arith.divsi %add3A_40, %jit3A_41 : i32
    %sign3A_43 = arith.constant 0 : i32
    %sign3A_44 = arith.cmpi sgt, %add3A_40, %sign3A_43 : i32
    %sign3A_45 = arith.extui %sign3A_44 : i1 to i32
    %sign3A_46 = arith.constant 0 : i32
    %sign3A_47 = arith.cmpi slt, %add3A_40, %sign3A_46 : i32
    %sign3A_48 = arith.extui %sign3A_47 : i1 to i32
    %sign3A_49 = arith.subi %sign3A_45, %sign3A_48 : i32
    %sign3A_50 = arith.constant 0 : i32
    %sign3A_51 = arith.cmpi sgt, %jit3A_41, %sign3A_50 : i32
    %sign3A_52 = arith.extui %sign3A_51 : i1 to i32
    %sign3A_53 = arith.constant 0 : i32
    %sign3A_54 = arith.cmpi slt, %jit3A_41, %sign3A_53 : i32
    %sign3A_55 = arith.extui %sign3A_54 : i1 to i32
    %sign3A_56 = arith.subi %sign3A_52, %sign3A_55 : i32
    %ne3A_57 = arith.cmpi ne, %sign3A_49, %sign3A_56 : i32
    %rem3A_58 = arith.remsi %add3A_40, %jit3A_41 : i32
    %ne3A_59 = arith.constant 0 : i32
    %ne3A_60 = arith.cmpi ne, %rem3A_58, %ne3A_59 : i32
    %and3A_61 = arith.andi %ne3A_57, %ne3A_60 : i1
    %sub3A_62 = arith.constant 1 : i32
    %sub3A_63 = arith.subi %div3A_42, %sub3A_62 : i32
    %select_n3A_64 = arith.select %and3A_61, %sub3A_63, %div3A_42 : i32
    %mul3A_65 = arith.constant 224 : i32
    %mul3A_66 = arith.muli %select_n3A_64, %mul3A_65 : i32
    %sub3A_67 = arith.subi %add3A_40, %mul3A_66 : i32
    %dma_wait3A_68 = arith.constant 0 : i32
    %dma_wait3A_69 = arith.constant 0 : i32
    %dma_wait3A_70 = arith.constant 0 : i32
    %dma_wait3A_71 = tpu.memref_slice %arg5[%select_n3A_64, %sub3A_67, %dma_wait3A_69, %dma_wait3A_70] : memref<8x224x224x192xf32, #tpu.memory_space<hbm>> -> memref<1x1x224x64xf32, #tpu.memory_space<hbm>>
    %dma_wait3A_72 = tpu.memref_squeeze %dma_wait3A_71 : memref<1x1x224x64xf32, #tpu.memory_space<hbm>> -> memref<224x64xf32, #tpu.memory_space<hbm>>
    %dma_wait3A_73 = tpu.memref_slice %arg11[%dma_wait3A_68] : memref<3x!tpu.dma_semaphore, #tpu.memory_space<semaphore_mem>> -> memref<1x!tpu.dma_semaphore, #tpu.memory_space<semaphore_mem>>
    %dma_wait3A_74 = tpu.memref_squeeze %dma_wait3A_73 : memref<1x!tpu.dma_semaphore, #tpu.memory_space<semaphore_mem>> -> memref<!tpu.dma_semaphore, #tpu.memory_space<semaphore_mem>>
    %dma_wait3A_75 = arith.constant 0 : i32
    %dma_wait3A_76 = arith.constant 0 : i32
    %dma_wait3A_77 = tpu.memref_slice %arg5[%select_n3A_64, %sub3A_67, %dma_wait3A_75, %dma_wait3A_76] : memref<8x224x224x192xf32, #tpu.memory_space<hbm>> -> memref<1x1x224x64xf32, #tpu.memory_space<hbm>>
    %dma_wait3A_78 = tpu.memref_squeeze %dma_wait3A_77 : memref<1x1x224x64xf32, #tpu.memory_space<hbm>> -> memref<224x64xf32, #tpu.memory_space<hbm>>
    tpu.wait_dma2 semaphore(%dma_wait3A_74 : memref<!tpu.dma_semaphore, #tpu.memory_space<semaphore_mem>>) src(%arg6 : memref<224x64xf32, #tpu.memory_space<vmem>>) dst(%dma_wait3A_78 : memref<224x64xf32, #tpu.memory_space<hbm>>)
    %add3A_79 = arith.constant 2 : i32
    %add3A_80 = arith.addi %mul3A_2, %add3A_79 : i32
    %jit3A_81 = arith.constant 224 : i32
    %div3A_82 = arith.divsi %add3A_80, %jit3A_81 : i32
    %sign3A_83 = arith.constant 0 : i32
    %sign3A_84 = arith.cmpi sgt, %add3A_80, %sign3A_83 : i32
    %sign3A_85 = arith.extui %sign3A_84 : i1 to i32
    %sign3A_86 = arith.constant 0 : i32
    %sign3A_87 = arith.cmpi slt, %add3A_80, %sign3A_86 : i32
    %sign3A_88 = arith.extui %sign3A_87 : i1 to i32
    %sign3A_89 = arith.subi %sign3A_85, %sign3A_88 : i32
    %sign3A_90 = arith.constant 0 : i32
    %sign3A_91 = arith.cmpi sgt, %jit3A_81, %sign3A_90 : i32
    %sign3A_92 = arith.extui %sign3A_91 : i1 to i32
    %sign3A_93 = arith.constant 0 : i32
    %sign3A_94 = arith.cmpi slt, %jit3A_81, %sign3A_93 : i32
    %sign3A_95 = arith.extui %sign3A_94 : i1 to i32
    %sign3A_96 = arith.subi %sign3A_92, %sign3A_95 : i32
    %ne3A_97 = arith.cmpi ne, %sign3A_89, %sign3A_96 : i32
    %rem3A_98 = arith.remsi %add3A_80, %jit3A_81 : i32
    %ne3A_99 = arith.constant 0 : i32
    %ne3A_100 = arith.cmpi ne, %rem3A_98, %ne3A_99 : i32
    %and3A_101 = arith.andi %ne3A_97, %ne3A_100 : i1
    %sub3A_102 = arith.constant 1 : i32
    %sub3A_103 = arith.subi %div3A_82, %sub3A_102 : i32
    %select_n3A_104 = arith.select %and3A_101, %sub3A_103, %div3A_82 : i32
    %mul3A_105 = arith.constant 224 : i32
    %mul3A_106 = arith.muli %select_n3A_104, %mul3A_105 : i32
    %sub3A_107 = arith.subi %add3A_80, %mul3A_106 : i32
    %dma_wait3A_108 = arith.constant 0 : i32
    %dma_wait3A_109 = arith.constant 0 : i32
    %dma_wait3A_110 = arith.constant 0 : i32
    %dma_wait3A_111 = tpu.memref_slice %arg5[%select_n3A_104, %sub3A_107, %dma_wait3A_109, %dma_wait3A_110] : memref<8x224x224x192xf32, #tpu.memory_space<hbm>> -> memref<1x1x224x64xf32, #tpu.memory_space<hbm>>
    %dma_wait3A_112 = tpu.memref_squeeze %dma_wait3A_111 : memref<1x1x224x64xf32, #tpu.memory_space<hbm>> -> memref<224x64xf32, #tpu.memory_space<hbm>>
    %dma_wait3A_113 = tpu.memref_slice %arg11[%dma_wait3A_108] : memref<3x!tpu.dma_semaphore, #tpu.memory_space<semaphore_mem>> -> memref<1x!tpu.dma_semaphore, #tpu.memory_space<semaphore_mem>>
    %dma_wait3A_114 = tpu.memref_squeeze %dma_wait3A_113 : memref<1x!tpu.dma_semaphore, #tpu.memory_space<semaphore_mem>> -> memref<!tpu.dma_semaphore, #tpu.memory_space<semaphore_mem>>
    %dma_wait3A_115 = arith.constant 0 : i32
    %dma_wait3A_116 = arith.constant 0 : i32
    %dma_wait3A_117 = tpu.memref_slice %arg5[%select_n3A_104, %sub3A_107, %dma_wait3A_115, %dma_wait3A_116] : memref<8x224x224x192xf32, #tpu.memory_space<hbm>> -> memref<1x1x224x64xf32, #tpu.memory_space<hbm>>
    %dma_wait3A_118 = tpu.memref_squeeze %dma_wait3A_117 : memref<1x1x224x64xf32, #tpu.memory_space<hbm>> -> memref<224x64xf32, #tpu.memory_space<hbm>>
    tpu.wait_dma2 semaphore(%dma_wait3A_114 : memref<!tpu.dma_semaphore, #tpu.memory_space<semaphore_mem>>) src(%arg6 : memref<224x64xf32, #tpu.memory_space<vmem>>) dst(%dma_wait3A_118 : memref<224x64xf32, #tpu.memory_space<hbm>>)
    %add3A_119 = arith.constant 3 : i32
    %add3A_120 = arith.addi %mul3A_2, %add3A_119 : i32
    %jit3A_121 = arith.constant 224 : i32
    %div3A_122 = arith.divsi %add3A_120, %jit3A_121 : i32
    %sign3A_123 = arith.constant 0 : i32
    %sign3A_124 = arith.cmpi sgt, %add3A_120, %sign3A_123 : i32
    %sign3A_125 = arith.extui %sign3A_124 : i1 to i32
    %sign3A_126 = arith.constant 0 : i32
    %sign3A_127 = arith.cmpi slt, %add3A_120, %sign3A_126 : i32
    %sign3A_128 = arith.extui %sign3A_127 : i1 to i32
    %sign3A_129 = arith.subi %sign3A_125, %sign3A_128 : i32
    %sign3A_130 = arith.constant 0 : i32
    %sign3A_131 = arith.cmpi sgt, %jit3A_121, %sign3A_130 : i32
    %sign3A_132 = arith.extui %sign3A_131 : i1 to i32
    %sign3A_133 = arith.constant 0 : i32
    %sign3A_134 = arith.cmpi slt, %jit3A_121, %sign3A_133 : i32
    %sign3A_135 = arith.extui %sign3A_134 : i1 to i32
    %sign3A_136 = arith.subi %sign3A_132, %sign3A_135 : i32
    %ne3A_137 = arith.cmpi ne, %sign3A_129, %sign3A_136 : i32
    %rem3A_138 = arith.remsi %add3A_120, %jit3A_121 : i32
    %ne3A_139 = arith.constant 0 : i32
    %ne3A_140 = arith.cmpi ne, %rem3A_138, %ne3A_139 : i32
    %and3A_141 = arith.andi %ne3A_137, %ne3A_140 : i1
    %sub3A_142 = arith.constant 1 : i32
    %sub3A_143 = arith.subi %div3A_122, %sub3A_142 : i32
    %select_n3A_144 = arith.select %and3A_141, %sub3A_143, %div3A_122 : i32
    %mul3A_145 = arith.constant 224 : i32
    %mul3A_146 = arith.muli %select_n3A_144, %mul3A_145 : i32
    %sub3A_147 = arith.subi %add3A_120, %mul3A_146 : i32
    %dma_wait3A_148 = arith.constant 0 : i32
    %dma_wait3A_149 = arith.constant 0 : i32
    %dma_wait3A_150 = arith.constant 0 : i32
    %dma_wait3A_151 = tpu.memref_slice %arg5[%select_n3A_144, %sub3A_147, %dma_wait3A_149, %dma_wait3A_150] : memref<8x224x224x192xf32, #tpu.memory_space<hbm>> -> memref<1x1x224x64xf32, #tpu.memory_space<hbm>>
    %dma_wait3A_152 = tpu.memref_squeeze %dma_wait3A_151 : memref<1x1x224x64xf32, #tpu.memory_space<hbm>> -> memref<224x64xf32, #tpu.memory_space<hbm>>
    %dma_wait3A_153 = tpu.memref_slice %arg11[%dma_wait3A_148] : memref<3x!tpu.dma_semaphore, #tpu.memory_space<semaphore_mem>> -> memref<1x!tpu.dma_semaphore, #tpu.memory_space<semaphore_mem>>
    %dma_wait3A_154 = tpu.memref_squeeze %dma_wait3A_153 : memref<1x!tpu.dma_semaphore, #tpu.memory_space<semaphore_mem>> -> memref<!tpu.dma_semaphore, #tpu.memory_space<semaphore_mem>>
    %dma_wait3A_155 = arith.constant 0 : i32
    %dma_wait3A_156 = arith.constant 0 : i32
    %dma_wait3A_157 = tpu.memref_slice %arg5[%select_n3A_144, %sub3A_147, %dma_wait3A_155, %dma_wait3A_156] : memref<8x224x224x192xf32, #tpu.memory_space<hbm>> -> memref<1x1x224x64xf32, #tpu.memory_space<hbm>>
    %dma_wait3A_158 = tpu.memref_squeeze %dma_wait3A_157 : memref<1x1x224x64xf32, #tpu.memory_space<hbm>> -> memref<224x64xf32, #tpu.memory_space<hbm>>
    tpu.wait_dma2 semaphore(%dma_wait3A_154 : memref<!tpu.dma_semaphore, #tpu.memory_space<semaphore_mem>>) src(%arg6 : memref<224x64xf32, #tpu.memory_space<vmem>>) dst(%dma_wait3A_158 : memref<224x64xf32, #tpu.memory_space<hbm>>)
    %add3A_159 = arith.constant 4 : i32
    %add3A_160 = arith.addi %mul3A_2, %add3A_159 : i32
    %jit3A_161 = arith.constant 224 : i32
    %div3A_162 = arith.divsi %add3A_160, %jit3A_161 : i32
    %sign3A_163 = arith.constant 0 : i32
    %sign3A_164 = arith.cmpi sgt, %add3A_160, %sign3A_163 : i32
    %sign3A_165 = arith.extui %sign3A_164 : i1 to i32
    %sign3A_166 = arith.constant 0 : i32
    %sign3A_167 = arith.cmpi slt, %add3A_160, %sign3A_166 : i32
    %sign3A_168 = arith.extui %sign3A_167 : i1 to i32
    %sign3A_169 = arith.subi %sign3A_165, %sign3A_168 : i32
    %sign3A_170 = arith.constant 0 : i32
    %sign3A_171 = arith.cmpi sgt, %jit3A_161, %sign3A_170 : i32
    %sign3A_172 = arith.extui %sign3A_171 : i1 to i32
    %sign3A_173 = arith.constant 0 : i32
    %sign3A_174 = arith.cmpi slt, %jit3A_161, %sign3A_173 : i32
    %sign3A_175 = arith.extui %sign3A_174 : i1 to i32
    %sign3A_176 = arith.subi %sign3A_172, %sign3A_175 : i32
    %ne3A_177 = arith.cmpi ne, %sign3A_169, %sign3A_176 : i32
    %rem3A_178 = arith.remsi %add3A_160, %jit3A_161 : i32
    %ne3A_179 = arith.constant 0 : i32
    %ne3A_180 = arith.cmpi ne, %rem3A_178, %ne3A_179 : i32
    %and3A_181 = arith.andi %ne3A_177, %ne3A_180 : i1
    %sub3A_182 = arith.constant 1 : i32
    %sub3A_183 = arith.subi %div3A_162, %sub3A_182 : i32
    %select_n3A_184 = arith.select %and3A_181, %sub3A_183, %div3A_162 : i32
    %mul3A_185 = arith.constant 224 : i32
    %mul3A_186 = arith.muli %select_n3A_184, %mul3A_185 : i32
    %sub3A_187 = arith.subi %add3A_160, %mul3A_186 : i32
    %dma_wait3A_188 = arith.constant 0 : i32
    %dma_wait3A_189 = arith.constant 0 : i32
    %dma_wait3A_190 = arith.constant 0 : i32
    %dma_wait3A_191 = tpu.memref_slice %arg5[%select_n3A_184, %sub3A_187, %dma_wait3A_189, %dma_wait3A_190] : memref<8x224x224x192xf32, #tpu.memory_space<hbm>> -> memref<1x1x224x64xf32, #tpu.memory_space<hbm>>
    %dma_wait3A_192 = tpu.memref_squeeze %dma_wait3A_191 : memref<1x1x224x64xf32, #tpu.memory_space<hbm>> -> memref<224x64xf32, #tpu.memory_space<hbm>>
    %dma_wait3A_193 = tpu.memref_slice %arg11[%dma_wait3A_188] : memref<3x!tpu.dma_semaphore, #tpu.memory_space<semaphore_mem>> -> memref<1x!tpu.dma_semaphore, #tpu.memory_space<semaphore_mem>>
    %dma_wait3A_194 = tpu.memref_squeeze %dma_wait3A_193 : memref<1x!tpu.dma_semaphore, #tpu.memory_space<semaphore_mem>> -> memref<!tpu.dma_semaphore, #tpu.memory_space<semaphore_mem>>
    %dma_wait3A_195 = arith.constant 0 : i32
    %dma_wait3A_196 = arith.constant 0 : i32
    %dma_wait3A_197 = tpu.memref_slice %arg5[%select_n3A_184, %sub3A_187, %dma_wait3A_195, %dma_wait3A_196] : memref<8x224x224x192xf32, #tpu.memory_space<hbm>> -> memref<1x1x224x64xf32, #tpu.memory_space<hbm>>
    %dma_wait3A_198 = tpu.memref_squeeze %dma_wait3A_197 : memref<1x1x224x64xf32, #tpu.memory_space<hbm>> -> memref<224x64xf32, #tpu.memory_space<hbm>>
    tpu.wait_dma2 semaphore(%dma_wait3A_194 : memref<!tpu.dma_semaphore, #tpu.memory_space<semaphore_mem>>) src(%arg6 : memref<224x64xf32, #tpu.memory_space<vmem>>) dst(%dma_wait3A_198 : memref<224x64xf32, #tpu.memory_space<hbm>>)
    %add3A_199 = arith.constant 5 : i32
    %add3A_200 = arith.addi %mul3A_2, %add3A_199 : i32
    %jit3A_201 = arith.constant 224 : i32
    %div3A_202 = arith.divsi %add3A_200, %jit3A_201 : i32
    %sign3A_203 = arith.constant 0 : i32
    %sign3A_204 = arith.cmpi sgt, %add3A_200, %sign3A_203 : i32
    %sign3A_205 = arith.extui %sign3A_204 : i1 to i32
    %sign3A_206 = arith.constant 0 : i32
    %sign3A_207 = arith.cmpi slt, %add3A_200, %sign3A_206 : i32
    %sign3A_208 = arith.extui %sign3A_207 : i1 to i32
    %sign3A_209 = arith.subi %sign3A_205, %sign3A_208 : i32
    %sign3A_210 = arith.constant 0 : i32
    %sign3A_211 = arith.cmpi sgt, %jit3A_201, %sign3A_210 : i32
    %sign3A_212 = arith.extui %sign3A_211 : i1 to i32
    %sign3A_213 = arith.constant 0 : i32
    %sign3A_214 = arith.cmpi slt, %jit3A_201, %sign3A_213 : i32
    %sign3A_215 = arith.extui %sign3A_214 : i1 to i32
    %sign3A_216 = arith.subi %sign3A_212, %sign3A_215 : i32
    %ne3A_217 = arith.cmpi ne, %sign3A_209, %sign3A_216 : i32
    %rem3A_218 = arith.remsi %add3A_200, %jit3A_201 : i32
    %ne3A_219 = arith.constant 0 : i32
    %ne3A_220 = arith.cmpi ne, %rem3A_218, %ne3A_219 : i32
    %and3A_221 = arith.andi %ne3A_217, %ne3A_220 : i1
    %sub3A_222 = arith.constant 1 : i32
    %sub3A_223 = arith.subi %div3A_202, %sub3A_222 : i32
    %select_n3A_224 = arith.select %and3A_221, %sub3A_223, %div3A_202 : i32
    %mul3A_225 = arith.constant 224 : i32
    %mul3A_226 = arith.muli %select_n3A_224, %mul3A_225 : i32
    %sub3A_227 = arith.subi %add3A_200, %mul3A_226 : i32
    %dma_wait3A_228 = arith.constant 0 : i32
    %dma_wait3A_229 = arith.constant 0 : i32
    %dma_wait3A_230 = arith.constant 0 : i32
    %dma_wait3A_231 = tpu.memref_slice %arg5[%select_n3A_224, %sub3A_227, %dma_wait3A_229, %dma_wait3A_230] : memref<8x224x224x192xf32, #tpu.memory_space<hbm>> -> memref<1x1x224x64xf32, #tpu.memory_space<hbm>>
    %dma_wait3A_232 = tpu.memref_squeeze %dma_wait3A_231 : memref<1x1x224x64xf32, #tpu.memory_space<hbm>> -> memref<224x64xf32, #tpu.memory_space<hbm>>
    %dma_wait3A_233 = tpu.memref_slice %arg11[%dma_wait3A_228] : memref<3x!tpu.dma_semaphore, #tpu.memory_space<semaphore_mem>> -> memref<1x!tpu.dma_semaphore, #tpu.memory_space<semaphore_mem>>
    %dma_wait3A_234 = tpu.memref_squeeze %dma_wait3A_233 : memref<1x!tpu.dma_semaphore, #tpu.memory_space<semaphore_mem>> -> memref<!tpu.dma_semaphore, #tpu.memory_space<semaphore_mem>>
    %dma_wait3A_235 = arith.constant 0 : i32
    %dma_wait3A_236 = arith.constant 0 : i32
    %dma_wait3A_237 = tpu.memref_slice %arg5[%select_n3A_224, %sub3A_227, %dma_wait3A_235, %dma_wait3A_236] : memref<8x224x224x192xf32, #tpu.memory_space<hbm>> -> memref<1x1x224x64xf32, #tpu.memory_space<hbm>>
    %dma_wait3A_238 = tpu.memref_squeeze %dma_wait3A_237 : memref<1x1x224x64xf32, #tpu.memory_space<hbm>> -> memref<224x64xf32, #tpu.memory_space<hbm>>
    tpu.wait_dma2 semaphore(%dma_wait3A_234 : memref<!tpu.dma_semaphore, #tpu.memory_space<semaphore_mem>>) src(%arg6 : memref<224x64xf32, #tpu.memory_space<vmem>>) dst(%dma_wait3A_238 : memref<224x64xf32, #tpu.memory_space<hbm>>)
    %add3A_239 = arith.constant 6 : i32
    %add3A_240 = arith.addi %mul3A_2, %add3A_239 : i32
    %jit3A_241 = arith.constant 224 : i32
    %div3A_242 = arith.divsi %add3A_240, %jit3A_241 : i32
    %sign3A_243 = arith.constant 0 : i32
    %sign3A_244 = arith.cmpi sgt, %add3A_240, %sign3A_243 : i32
    %sign3A_245 = arith.extui %sign3A_244 : i1 to i32
    %sign3A_246 = arith.constant 0 : i32
    %sign3A_247 = arith.cmpi slt, %add3A_240, %sign3A_246 : i32
    %sign3A_248 = arith.extui %sign3A_247 : i1 to i32
    %sign3A_249 = arith.subi %sign3A_245, %sign3A_248 : i32
    %sign3A_250 = arith.constant 0 : i32
    %sign3A_251 = arith.cmpi sgt, %jit3A_241, %sign3A_250 : i32
    %sign3A_252 = arith.extui %sign3A_251 : i1 to i32
    %sign3A_253 = arith.constant 0 : i32
    %sign3A_254 = arith.cmpi slt, %jit3A_241, %sign3A_253 : i32
    %sign3A_255 = arith.extui %sign3A_254 : i1 to i32
    %sign3A_256 = arith.subi %sign3A_252, %sign3A_255 : i32
    %ne3A_257 = arith.cmpi ne, %sign3A_249, %sign3A_256 : i32
    %rem3A_258 = arith.remsi %add3A_240, %jit3A_241 : i32
    %ne3A_259 = arith.constant 0 : i32
    %ne3A_260 = arith.cmpi ne, %rem3A_258, %ne3A_259 : i32
    %and3A_261 = arith.andi %ne3A_257, %ne3A_260 : i1
    %sub3A_262 = arith.constant 1 : i32
    %sub3A_263 = arith.subi %div3A_242, %sub3A_262 : i32
    %select_n3A_264 = arith.select %and3A_261, %sub3A_263, %div3A_242 : i32
    %mul3A_265 = arith.constant 224 : i32
    %mul3A_266 = arith.muli %select_n3A_264, %mul3A_265 : i32
    %sub3A_267 = arith.subi %add3A_240, %mul3A_266 : i32
    %dma_wait3A_268 = arith.constant 0 : i32
    %dma_wait3A_269 = arith.constant 0 : i32
    %dma_wait3A_270 = arith.constant 0 : i32
    %dma_wait3A_271 = tpu.memref_slice %arg5[%select_n3A_264, %sub3A_267, %dma_wait3A_269, %dma_wait3A_270] : memref<8x224x224x192xf32, #tpu.memory_space<hbm>> -> memref<1x1x224x64xf32, #tpu.memory_space<hbm>>
    %dma_wait3A_272 = tpu.memref_squeeze %dma_wait3A_271 : memref<1x1x224x64xf32, #tpu.memory_space<hbm>> -> memref<224x64xf32, #tpu.memory_space<hbm>>
    %dma_wait3A_273 = tpu.memref_slice %arg11[%dma_wait3A_268] : memref<3x!tpu.dma_semaphore, #tpu.memory_space<semaphore_mem>> -> memref<1x!tpu.dma_semaphore, #tpu.memory_space<semaphore_mem>>
    %dma_wait3A_274 = tpu.memref_squeeze %dma_wait3A_273 : memref<1x!tpu.dma_semaphore, #tpu.memory_space<semaphore_mem>> -> memref<!tpu.dma_semaphore, #tpu.memory_space<semaphore_mem>>
    %dma_wait3A_275 = arith.constant 0 : i32
    %dma_wait3A_276 = arith.constant 0 : i32
    %dma_wait3A_277 = tpu.memref_slice %arg5[%select_n3A_264, %sub3A_267, %dma_wait3A_275, %dma_wait3A_276] : memref<8x224x224x192xf32, #tpu.memory_space<hbm>> -> memref<1x1x224x64xf32, #tpu.memory_space<hbm>>
    %dma_wait3A_278 = tpu.memref_squeeze %dma_wait3A_277 : memref<1x1x224x64xf32, #tpu.memory_space<hbm>> -> memref<224x64xf32, #tpu.memory_space<hbm>>
    tpu.wait_dma2 semaphore(%dma_wait3A_274 : memref<!tpu.dma_semaphore, #tpu.memory_space<semaphore_mem>>) src(%arg6 : memref<224x64xf32, #tpu.memory_space<vmem>>) dst(%dma_wait3A_278 : memref<224x64xf32, #tpu.memory_space<hbm>>)
    %add3A_279 = arith.constant 7 : i32
    %add3A_280 = arith.addi %mul3A_2, %add3A_279 : i32
    %jit3A_281 = arith.constant 224 : i32
    %div3A_282 = arith.divsi %add3A_280, %jit3A_281 : i32
    %sign3A_283 = arith.constant 0 : i32
    %sign3A_284 = arith.cmpi sgt, %add3A_280, %sign3A_283 : i32
    %sign3A_285 = arith.extui %sign3A_284 : i1 to i32
    %sign3A_286 = arith.constant 0 : i32
    %sign3A_287 = arith.cmpi slt, %add3A_280, %sign3A_286 : i32
    %sign3A_288 = arith.extui %sign3A_287 : i1 to i32
    %sign3A_289 = arith.subi %sign3A_285, %sign3A_288 : i32
    %sign3A_290 = arith.constant 0 : i32
    %sign3A_291 = arith.cmpi sgt, %jit3A_281, %sign3A_290 : i32
    %sign3A_292 = arith.extui %sign3A_291 : i1 to i32
    %sign3A_293 = arith.constant 0 : i32
    %sign3A_294 = arith.cmpi slt, %jit3A_281, %sign3A_293 : i32
    %sign3A_295 = arith.extui %sign3A_294 : i1 to i32
    %sign3A_296 = arith.subi %sign3A_292, %sign3A_295 : i32
    %ne3A_297 = arith.cmpi ne, %sign3A_289, %sign3A_296 : i32
    %rem3A_298 = arith.remsi %add3A_280, %jit3A_281 : i32
    %ne3A_299 = arith.constant 0 : i32
    %ne3A_300 = arith.cmpi ne, %rem3A_298, %ne3A_299 : i32
    %and3A_301 = arith.andi %ne3A_297, %ne3A_300 : i1
    %sub3A_302 = arith.constant 1 : i32
    %sub3A_303 = arith.subi %div3A_282, %sub3A_302 : i32
    %select_n3A_304 = arith.select %and3A_301, %sub3A_303, %div3A_282 : i32
    %mul3A_305 = arith.constant 224 : i32
    %mul3A_306 = arith.muli %select_n3A_304, %mul3A_305 : i32
    %sub3A_307 = arith.subi %add3A_280, %mul3A_306 : i32
    %dma_wait3A_308 = arith.constant 0 : i32
    %dma_wait3A_309 = arith.constant 0 : i32
    %dma_wait3A_310 = arith.constant 0 : i32
    %dma_wait3A_311 = tpu.memref_slice %arg5[%select_n3A_304, %sub3A_307, %dma_wait3A_309, %dma_wait3A_310] : memref<8x224x224x192xf32, #tpu.memory_space<hbm>> -> memref<1x1x224x64xf32, #tpu.memory_space<hbm>>
    %dma_wait3A_312 = tpu.memref_squeeze %dma_wait3A_311 : memref<1x1x224x64xf32, #tpu.memory_space<hbm>> -> memref<224x64xf32, #tpu.memory_space<hbm>>
    %dma_wait3A_313 = tpu.memref_slice %arg11[%dma_wait3A_308] : memref<3x!tpu.dma_semaphore, #tpu.memory_space<semaphore_mem>> -> memref<1x!tpu.dma_semaphore, #tpu.memory_space<semaphore_mem>>
    %dma_wait3A_314 = tpu.memref_squeeze %dma_wait3A_313 : memref<1x!tpu.dma_semaphore, #tpu.memory_space<semaphore_mem>> -> memref<!tpu.dma_semaphore, #tpu.memory_space<semaphore_mem>>
    %dma_wait3A_315 = arith.constant 0 : i32
    %dma_wait3A_316 = arith.constant 0 : i32
    %dma_wait3A_317 = tpu.memref_slice %arg5[%select_n3A_304, %sub3A_307, %dma_wait3A_315, %dma_wait3A_316] : memref<8x224x224x192xf32, #tpu.memory_space<hbm>> -> memref<1x1x224x64xf32, #tpu.memory_space<hbm>>
    %dma_wait3A_318 = tpu.memref_squeeze %dma_wait3A_317 : memref<1x1x224x64xf32, #tpu.memory_space<hbm>> -> memref<224x64xf32, #tpu.memory_space<hbm>>
    tpu.wait_dma2 semaphore(%dma_wait3A_314 : memref<!tpu.dma_semaphore, #tpu.memory_space<semaphore_mem>>) src(%arg6 : memref<224x64xf32, #tpu.memory_space<vmem>>) dst(%dma_wait3A_318 : memref<224x64xf32, #tpu.memory_space<hbm>>)
    %add3A_319 = arith.constant 8 : i32
    %add3A_320 = arith.addi %mul3A_2, %add3A_319 : i32
    %jit3A_321 = arith.constant 224 : i32
    %div3A_322 = arith.divsi %add3A_320, %jit3A_321 : i32
    %sign3A_323 = arith.constant 0 : i32
    %sign3A_324 = arith.cmpi sgt, %add3A_320, %sign3A_323 : i32
    %sign3A_325 = arith.extui %sign3A_324 : i1 to i32
    %sign3A_326 = arith.constant 0 : i32
    %sign3A_327 = arith.cmpi slt, %add3A_320, %sign3A_326 : i32
    %sign3A_328 = arith.extui %sign3A_327 : i1 to i32
    %sign3A_329 = arith.subi %sign3A_325, %sign3A_328 : i32
    %sign3A_330 = arith.constant 0 : i32
    %sign3A_331 = arith.cmpi sgt, %jit3A_321, %sign3A_330 : i32
    %sign3A_332 = arith.extui %sign3A_331 : i1 to i32
    %sign3A_333 = arith.constant 0 : i32
    %sign3A_334 = arith.cmpi slt, %jit3A_321, %sign3A_333 : i32
    %sign3A_335 = arith.extui %sign3A_334 : i1 to i32
    %sign3A_336 = arith.subi %sign3A_332, %sign3A_335 : i32
    %ne3A_337 = arith.cmpi ne, %sign3A_329, %sign3A_336 : i32
    %rem3A_338 = arith.remsi %add3A_320, %jit3A_321 : i32
    %ne3A_339 = arith.constant 0 : i32
    %ne3A_340 = arith.cmpi ne, %rem3A_338, %ne3A_339 : i32
    %and3A_341 = arith.andi %ne3A_337, %ne3A_340 : i1
    %sub3A_342 = arith.constant 1 : i32
    %sub3A_343 = arith.subi %div3A_322, %sub3A_342 : i32
    %select_n3A_344 = arith.select %and3A_341, %sub3A_343, %div3A_322 : i32
    %mul3A_345 = arith.constant 224 : i32
    %mul3A_346 = arith.muli %select_n3A_344, %mul3A_345 : i32
    %sub3A_347 = arith.subi %add3A_320, %mul3A_346 : i32
    %dma_wait3A_348 = arith.constant 0 : i32
    %dma_wait3A_349 = arith.constant 0 : i32
    %dma_wait3A_350 = arith.constant 0 : i32
    %dma_wait3A_351 = tpu.memref_slice %arg5[%select_n3A_344, %sub3A_347, %dma_wait3A_349, %dma_wait3A_350] : memref<8x224x224x192xf32, #tpu.memory_space<hbm>> -> memref<1x1x224x64xf32, #tpu.memory_space<hbm>>
    %dma_wait3A_352 = tpu.memref_squeeze %dma_wait3A_351 : memref<1x1x224x64xf32, #tpu.memory_space<hbm>> -> memref<224x64xf32, #tpu.memory_space<hbm>>
    %dma_wait3A_353 = tpu.memref_slice %arg11[%dma_wait3A_348] : memref<3x!tpu.dma_semaphore, #tpu.memory_space<semaphore_mem>> -> memref<1x!tpu.dma_semaphore, #tpu.memory_space<semaphore_mem>>
    %dma_wait3A_354 = tpu.memref_squeeze %dma_wait3A_353 : memref<1x!tpu.dma_semaphore, #tpu.memory_space<semaphore_mem>> -> memref<!tpu.dma_semaphore, #tpu.memory_space<semaphore_mem>>
    %dma_wait3A_355 = arith.constant 0 : i32
    %dma_wait3A_356 = arith.constant 0 : i32
    %dma_wait3A_357 = tpu.memref_slice %arg5[%select_n3A_344, %sub3A_347, %dma_wait3A_355, %dma_wait3A_356] : memref<8x224x224x192xf32, #tpu.memory_space<hbm>> -> memref<1x1x224x64xf32, #tpu.memory_space<hbm>>
    %dma_wait3A_358 = tpu.memref_squeeze %dma_wait3A_357 : memref<1x1x224x64xf32, #tpu.memory_space<hbm>> -> memref<224x64xf32, #tpu.memory_space<hbm>>
    tpu.wait_dma2 semaphore(%dma_wait3A_354 : memref<!tpu.dma_semaphore, #tpu.memory_space<semaphore_mem>>) src(%arg6 : memref<224x64xf32, #tpu.memory_space<vmem>>) dst(%dma_wait3A_358 : memref<224x64xf32, #tpu.memory_space<hbm>>)
    %add3A_359 = arith.constant 9 : i32
    %add3A_360 = arith.addi %mul3A_2, %add3A_359 : i32
    %jit3A_361 = arith.constant 224 : i32
    %div3A_362 = arith.divsi %add3A_360, %jit3A_361 : i32
    %sign3A_363 = arith.constant 0 : i32
    %sign3A_364 = arith.cmpi sgt, %add3A_360, %sign3A_363 : i32
    %sign3A_365 = arith.extui %sign3A_364 : i1 to i32
    %sign3A_366 = arith.constant 0 : i32
    %sign3A_367 = arith.cmpi slt, %add3A_360, %sign3A_366 : i32
    %sign3A_368 = arith.extui %sign3A_367 : i1 to i32
    %sign3A_369 = arith.subi %sign3A_365, %sign3A_368 : i32
    %sign3A_370 = arith.constant 0 : i32
    %sign3A_371 = arith.cmpi sgt, %jit3A_361, %sign3A_370 : i32
    %sign3A_372 = arith.extui %sign3A_371 : i1 to i32
    %sign3A_373 = arith.constant 0 : i32
    %sign3A_374 = arith.cmpi slt, %jit3A_361, %sign3A_373 : i32
    %sign3A_375 = arith.extui %sign3A_374 : i1 to i32
    %sign3A_376 = arith.subi %sign3A_372, %sign3A_375 : i32
    %ne3A_377 = arith.cmpi ne, %sign3A_369, %sign3A_376 : i32
    %rem3A_378 = arith.remsi %add3A_360, %jit3A_361 : i32
    %ne3A_379 = arith.constant 0 : i32
    %ne3A_380 = arith.cmpi ne, %rem3A_378, %ne3A_379 : i32
    %and3A_381 = arith.andi %ne3A_377, %ne3A_380 : i1
    %sub3A_382 = arith.constant 1 : i32
    %sub3A_383 = arith.subi %div3A_362, %sub3A_382 : i32
    %select_n3A_384 = arith.select %and3A_381, %sub3A_383, %div3A_362 : i32
    %mul3A_385 = arith.constant 224 : i32
    %mul3A_386 = arith.muli %select_n3A_384, %mul3A_385 : i32
    %sub3A_387 = arith.subi %add3A_360, %mul3A_386 : i32
    %dma_wait3A_388 = arith.constant 0 : i32
    %dma_wait3A_389 = arith.constant 0 : i32
    %dma_wait3A_390 = arith.constant 0 : i32
    %dma_wait3A_391 = tpu.memref_slice %arg5[%select_n3A_384, %sub3A_387, %dma_wait3A_389, %dma_wait3A_390] : memref<8x224x224x192xf32, #tpu.memory_space<hbm>> -> memref<1x1x224x64xf32, #tpu.memory_space<hbm>>
    %dma_wait3A_392 = tpu.memref_squeeze %dma_wait3A_391 : memref<1x1x224x64xf32, #tpu.memory_space<hbm>> -> memref<224x64xf32, #tpu.memory_space<hbm>>
    %dma_wait3A_393 = tpu.memref_slice %arg11[%dma_wait3A_388] : memref<3x!tpu.dma_semaphore, #tpu.memory_space<semaphore_mem>> -> memref<1x!tpu.dma_semaphore, #tpu.memory_space<semaphore_mem>>
    %dma_wait3A_394 = tpu.memref_squeeze %dma_wait3A_393 : memref<1x!tpu.dma_semaphore, #tpu.memory_space<semaphore_mem>> -> memref<!tpu.dma_semaphore, #tpu.memory_space<semaphore_mem>>
    %dma_wait3A_395 = arith.constant 0 : i32
    %dma_wait3A_396 = arith.constant 0 : i32
    %dma_wait3A_397 = tpu.memref_slice %arg5[%select_n3A_384, %sub3A_387, %dma_wait3A_395, %dma_wait3A_396] : memref<8x224x224x192xf32, #tpu.memory_space<hbm>> -> memref<1x1x224x64xf32, #tpu.memory_space<hbm>>
    %dma_wait3A_398 = tpu.memref_squeeze %dma_wait3A_397 : memref<1x1x224x64xf32, #tpu.memory_space<hbm>> -> memref<224x64xf32, #tpu.memory_space<hbm>>
    tpu.wait_dma2 semaphore(%dma_wait3A_394 : memref<!tpu.dma_semaphore, #tpu.memory_space<semaphore_mem>>) src(%arg6 : memref<224x64xf32, #tpu.memory_space<vmem>>) dst(%dma_wait3A_398 : memref<224x64xf32, #tpu.memory_space<hbm>>)
    %add3A_399 = arith.constant 10 : i32
    %add3A_400 = arith.addi %mul3A_2, %add3A_399 : i32
    %jit3A_401 = arith.constant 224 : i32
    %div3A_402 = arith.divsi %add3A_400, %jit3A_401 : i32
    %sign3A_403 = arith.constant 0 : i32
    %sign3A_404 = arith.cmpi sgt, %add3A_400, %sign3A_403 : i32
    %sign3A_405 = arith.extui %sign3A_404 : i1 to i32
    %sign3A_406 = arith.constant 0 : i32
    %sign3A_407 = arith.cmpi slt, %add3A_400, %sign3A_406 : i32
    %sign3A_408 = arith.extui %sign3A_407 : i1 to i32
    %sign3A_409 = arith.subi %sign3A_405, %sign3A_408 : i32
    %sign3A_410 = arith.constant 0 : i32
    %sign3A_411 = arith.cmpi sgt, %jit3A_401, %sign3A_410 : i32
    %sign3A_412 = arith.extui %sign3A_411 : i1 to i32
    %sign3A_413 = arith.constant 0 : i32
    %sign3A_414 = arith.cmpi slt, %jit3A_401, %sign3A_413 : i32
    %sign3A_415 = arith.extui %sign3A_414 : i1 to i32
    %sign3A_416 = arith.subi %sign3A_412, %sign3A_415 : i32
    %ne3A_417 = arith.cmpi ne, %sign3A_409, %sign3A_416 : i32
    %rem3A_418 = arith.remsi %add3A_400, %jit3A_401 : i32
    %ne3A_419 = arith.constant 0 : i32
    %ne3A_420 = arith.cmpi ne, %rem3A_418, %ne3A_419 : i32
    %and3A_421 = arith.andi %ne3A_417, %ne3A_420 : i1
    %sub3A_422 = arith.constant 1 : i32
    %sub3A_423 = arith.subi %div3A_402, %sub3A_422 : i32
    %select_n3A_424 = arith.select %and3A_421, %sub3A_423, %div3A_402 : i32
    %mul3A_425 = arith.constant 224 : i32
    %mul3A_426 = arith.muli %select_n3A_424, %mul3A_425 : i32
    %sub3A_427 = arith.subi %add3A_400, %mul3A_426 : i32
    %dma_wait3A_428 = arith.constant 0 : i32
    %dma_wait3A_429 = arith.constant 0 : i32
    %dma_wait3A_430 = arith.constant 0 : i32
    %dma_wait3A_431 = tpu.memref_slice %arg5[%select_n3A_424, %sub3A_427, %dma_wait3A_429, %dma_wait3A_430] : memref<8x224x224x192xf32, #tpu.memory_space<hbm>> -> memref<1x1x224x64xf32, #tpu.memory_space<hbm>>
    %dma_wait3A_432 = tpu.memref_squeeze %dma_wait3A_431 : memref<1x1x224x64xf32, #tpu.memory_space<hbm>> -> memref<224x64xf32, #tpu.memory_space<hbm>>
    %dma_wait3A_433 = tpu.memref_slice %arg11[%dma_wait3A_428] : memref<3x!tpu.dma_semaphore, #tpu.memory_space<semaphore_mem>> -> memref<1x!tpu.dma_semaphore, #tpu.memory_space<semaphore_mem>>
    %dma_wait3A_434 = tpu.memref_squeeze %dma_wait3A_433 : memref<1x!tpu.dma_semaphore, #tpu.memory_space<semaphore_mem>> -> memref<!tpu.dma_semaphore, #tpu.memory_space<semaphore_mem>>
    %dma_wait3A_435 = arith.constant 0 : i32
    %dma_wait3A_436 = arith.constant 0 : i32
    %dma_wait3A_437 = tpu.memref_slice %arg5[%select_n3A_424, %sub3A_427, %dma_wait3A_435, %dma_wait3A_436] : memref<8x224x224x192xf32, #tpu.memory_space<hbm>> -> memref<1x1x224x64xf32, #tpu.memory_space<hbm>>
    %dma_wait3A_438 = tpu.memref_squeeze %dma_wait3A_437 : memref<1x1x224x64xf32, #tpu.memory_space<hbm>> -> memref<224x64xf32, #tpu.memory_space<hbm>>
    tpu.wait_dma2 semaphore(%dma_wait3A_434 : memref<!tpu.dma_semaphore, #tpu.memory_space<semaphore_mem>>) src(%arg6 : memref<224x64xf32, #tpu.memory_space<vmem>>) dst(%dma_wait3A_438 : memref<224x64xf32, #tpu.memory_space<hbm>>)
    %add3A_439 = arith.constant 11 : i32
    %add3A_440 = arith.addi %mul3A_2, %add3A_439 : i32
    %jit3A_441 = arith.constant 224 : i32
    %div3A_442 = arith.divsi %add3A_440, %jit3A_441 : i32
    %sign3A_443 = arith.constant 0 : i32
    %sign3A_444 = arith.cmpi sgt, %add3A_440, %sign3A_443 : i32
    %sign3A_445 = arith.extui %sign3A_444 : i1 to i32
    %sign3A_446 = arith.constant 0 : i32
    %sign3A_447 = arith.cmpi slt, %add3A_440, %sign3A_446 : i32
    %sign3A_448 = arith.extui %sign3A_447 : i1 to i32
    %sign3A_449 = arith.subi %sign3A_445, %sign3A_448 : i32
    %sign3A_450 = arith.constant 0 : i32
    %sign3A_451 = arith.cmpi sgt, %jit3A_441, %sign3A_450 : i32
    %sign3A_452 = arith.extui %sign3A_451 : i1 to i32
    %sign3A_453 = arith.constant 0 : i32
    %sign3A_454 = arith.cmpi slt, %jit3A_441, %sign3A_453 : i32
    %sign3A_455 = arith.extui %sign3A_454 : i1 to i32
    %sign3A_456 = arith.subi %sign3A_452, %sign3A_455 : i32
    %ne3A_457 = arith.cmpi ne, %sign3A_449, %sign3A_456 : i32
    %rem3A_458 = arith.remsi %add3A_440, %jit3A_441 : i32
    %ne3A_459 = arith.constant 0 : i32
    %ne3A_460 = arith.cmpi ne, %rem3A_458, %ne3A_459 : i32
    %and3A_461 = arith.andi %ne3A_457, %ne3A_460 : i1
    %sub3A_462 = arith.constant 1 : i32
    %sub3A_463 = arith.subi %div3A_442, %sub3A_462 : i32
    %select_n3A_464 = arith.select %and3A_461, %sub3A_463, %div3A_442 : i32
    %mul3A_465 = arith.constant 224 : i32
    %mul3A_466 = arith.muli %select_n3A_464, %mul3A_465 : i32
    %sub3A_467 = arith.subi %add3A_440, %mul3A_466 : i32
    %dma_wait3A_468 = arith.constant 0 : i32
    %dma_wait3A_469 = arith.constant 0 : i32
    %dma_wait3A_470 = arith.constant 0 : i32
    %dma_wait3A_471 = tpu.memref_slice %arg5[%select_n3A_464, %sub3A_467, %dma_wait3A_469, %dma_wait3A_470] : memref<8x224x224x192xf32, #tpu.memory_space<hbm>> -> memref<1x1x224x64xf32, #tpu.memory_space<hbm>>
    %dma_wait3A_472 = tpu.memref_squeeze %dma_wait3A_471 : memref<1x1x224x64xf32, #tpu.memory_space<hbm>> -> memref<224x64xf32, #tpu.memory_space<hbm>>
    %dma_wait3A_473 = tpu.memref_slice %arg11[%dma_wait3A_468] : memref<3x!tpu.dma_semaphore, #tpu.memory_space<semaphore_mem>> -> memref<1x!tpu.dma_semaphore, #tpu.memory_space<semaphore_mem>>
    %dma_wait3A_474 = tpu.memref_squeeze %dma_wait3A_473 : memref<1x!tpu.dma_semaphore, #tpu.memory_space<semaphore_mem>> -> memref<!tpu.dma_semaphore, #tpu.memory_space<semaphore_mem>>
    %dma_wait3A_475 = arith.constant 0 : i32
    %dma_wait3A_476 = arith.constant 0 : i32
    %dma_wait3A_477 = tpu.memref_slice %arg5[%select_n3A_464, %sub3A_467, %dma_wait3A_475, %dma_wait3A_476] : memref<8x224x224x192xf32, #tpu.memory_space<hbm>> -> memref<1x1x224x64xf32, #tpu.memory_space<hbm>>
    %dma_wait3A_478 = tpu.memref_squeeze %dma_wait3A_477 : memref<1x1x224x64xf32, #tpu.memory_space<hbm>> -> memref<224x64xf32, #tpu.memory_space<hbm>>
    tpu.wait_dma2 semaphore(%dma_wait3A_474 : memref<!tpu.dma_semaphore, #tpu.memory_space<semaphore_mem>>) src(%arg6 : memref<224x64xf32, #tpu.memory_space<vmem>>) dst(%dma_wait3A_478 : memref<224x64xf32, #tpu.memory_space<hbm>>)
    %scan3A_479 = arith.constant 0 : i32
    %scan3A_480 = arith.constant 0 : i32
    %scan3A_481 = arith.constant 7 : i32
    %scan3A_482 = arith.addi %scan3A_480, %scan3A_481 : i32
    %scan3A_483 = arith.constant 1 : i32
    scf.for %scan3A_718 = %scan3A_480 to %scan3A_482 step %scan3A_483  : i32 {
      %mul3A_719 = arith.constant 7 : i32
      %mul3A_720 = arith.muli %add3A, %mul3A_719 : i32
      %add3A_721 = arith.addi %mul3A_720, %scan3A_718 : i32
      %get3A_722 = arith.index_cast %add3A_721 : i32 to index
      %get3A_723 = arith.constant 0 : index
      %get3A_724 = tpu.vector_load %arg7[%get3A_722, %get3A_723] {strides = array<i32>} : memref<224x64xf32, #tpu.memory_space<vmem>>, vector<1x16xf32>,
      %get3A_725 = vector.shape_cast %get3A_724 : vector<1x16xf32> to vector<16xf32>
      %get3A_726 = arith.index_cast %add3A_721 : i32 to index
      %get3A_727 = arith.constant 16 : index
      %get3A_728 = tpu.vector_load %arg7[%get3A_726, %get3A_727] {strides = array<i32>} : memref<224x64xf32, #tpu.memory_space<vmem>>, vector<1x16xf32>,
      %get3A_729 = vector.shape_cast %get3A_728 : vector<1x16xf32> to vector<16xf32>
      %get3A_730 = arith.index_cast %add3A_721 : i32 to index
      %get3A_731 = arith.constant 32 : index
      %get3A_732 = tpu.vector_load %arg7[%get3A_730, %get3A_731] {strides = array<i32>} : memref<224x64xf32, #tpu.memory_space<vmem>>, vector<1x16xf32>,
      %get3A_733 = vector.shape_cast %get3A_732 : vector<1x16xf32> to vector<16xf32>
      %get3A_734 = arith.index_cast %add3A_721 : i32 to index
      %get3A_735 = arith.constant 48 : index
      %get3A_736 = tpu.vector_load %arg7[%get3A_734, %get3A_735] {strides = array<i32>} : memref<224x64xf32, #tpu.memory_space<vmem>>, vector<1x16xf32>,
      %get3A_737 = vector.shape_cast %get3A_736 : vector<1x16xf32> to vector<16xf32>
      %scan3A_738 = arith.constant 0 : i32
      %scan3A_739 = arith.constant 0 : i32
      %scan3A_740 = arith.constant 224 : i32
      %scan3A_741 = arith.addi %scan3A_739, %scan3A_740 : i32
      %scan3A_742 = arith.constant 1 : i32
      scf.for %scan3A_935 = %scan3A_739 to %scan3A_741 step %scan3A_742  : i32 {
        %swap3A = arith.index_cast %scan3A_935 : i32 to index
        %swap3A_936 = arith.constant 0 : index
        %swap3A_937 = tpu.vector_load %arg9[%swap3A, %swap3A_936] {strides = array<i32>} : memref<224x64xf32, #tpu.memory_space<vmem>>, vector<1x16xf32>,
        %swap3A_938 = vector.shape_cast %swap3A_937 : vector<1x16xf32> to vector<16xf32>
        %swap3A_939 = vector.shape_cast %get3A_725 : vector<16xf32> to vector<1x16xf32>
        tpu.vector_store %arg9[%swap3A, %swap3A_936], %swap3A_939 {strides = array<i32>} : memref<224x64xf32, #tpu.memory_space<vmem>>, vector<1x16xf32>,
        %swap3A_940 = arith.index_cast %scan3A_935 : i32 to index
        %swap3A_941 = arith.constant 16 : index
        %swap3A_942 = tpu.vector_load %arg9[%swap3A_940, %swap3A_941] {strides = array<i32>} : memref<224x64xf32, #tpu.memory_space<vmem>>, vector<1x16xf32>,
        %swap3A_943 = vector.shape_cast %swap3A_942 : vector<1x16xf32> to vector<16xf32>
        %swap3A_944 = vector.shape_cast %get3A_729 : vector<16xf32> to vector<1x16xf32>
        tpu.vector_store %arg9[%swap3A_940, %swap3A_941], %swap3A_944 {strides = array<i32>} : memref<224x64xf32, #tpu.memory_space<vmem>>, vector<1x16xf32>,
        %swap3A_945 = arith.index_cast %scan3A_935 : i32 to index
        %swap3A_946 = arith.constant 32 : index
        %swap3A_947 = tpu.vector_load %arg9[%swap3A_945, %swap3A_946] {strides = array<i32>} : memref<224x64xf32, #tpu.memory_space<vmem>>, vector<1x16xf32>,
        %swap3A_948 = vector.shape_cast %swap3A_947 : vector<1x16xf32> to vector<16xf32>
        %swap3A_949 = vector.shape_cast %get3A_733 : vector<16xf32> to vector<1x16xf32>
        tpu.vector_store %arg9[%swap3A_945, %swap3A_946], %swap3A_949 {strides = array<i32>} : memref<224x64xf32, #tpu.memory_space<vmem>>, vector<1x16xf32>,
        %swap3A_950 = arith.index_cast %scan3A_935 : i32 to index
        %swap3A_951 = arith.constant 48 : index
        %swap3A_952 = tpu.vector_load %arg9[%swap3A_950, %swap3A_951] {strides = array<i32>} : memref<224x64xf32, #tpu.memory_space<vmem>>, vector<1x16xf32>,
        %swap3A_953 = vector.shape_cast %swap3A_952 : vector<1x16xf32> to vector<16xf32>
        %swap3A_954 = vector.shape_cast %get3A_737 : vector<16xf32> to vector<1x16xf32>
        tpu.vector_store %arg9[%swap3A_950, %swap3A_951], %swap3A_954 {strides = array<i32>} : memref<224x64xf32, #tpu.memory_space<vmem>>, vector<1x16xf32>,
      }
      %scan3A_743 = arith.constant 224 : i32
      %dma_start3A = arith.constant 0 : i32
      %dma_start3A_744 = arith.constant 1 : i32
      %dma_start3A_745 = arith.constant 0 : i32
      %dma_start3A_746 = arith.constant 64 : i32
      %dma_start3A_747 = tpu.memref_slice %arg5[%dma_start3A, %add3A_721, %dma_start3A_745, %dma_start3A_746] : memref<8x224x224x192xf32, #tpu.memory_space<hbm>> -> memref<1x1x224x64xf32, #tpu.memory_space<hbm>>
      %dma_start3A_748 = tpu.memref_squeeze %dma_start3A_747 : memref<1x1x224x64xf32, #tpu.memory_space<hbm>> -> memref<224x64xf32, #tpu.memory_space<hbm>>
      %dma_start3A_749 = tpu.memref_slice %arg11[%dma_start3A_744] : memref<3x!tpu.dma_semaphore, #tpu.memory_space<semaphore_mem>> -> memref<1x!tpu.dma_semaphore, #tpu.memory_space<semaphore_mem>>
      %dma_start3A_750 = tpu.memref_squeeze %dma_start3A_749 : memref<1x!tpu.dma_semaphore, #tpu.memory_space<semaphore_mem>> -> memref<!tpu.dma_semaphore, #tpu.memory_space<semaphore_mem>>
      %dma_start3A_751 = arith.constant 0 : i32
      %dma_start3A_752 = arith.constant 64 : i32
      %dma_start3A_753 = tpu.memref_slice %arg5[%dma_start3A, %add3A_721, %dma_start3A_751, %dma_start3A_752] : memref<8x224x224x192xf32, #tpu.memory_space<hbm>> -> memref<1x1x224x64xf32, #tpu.memory_space<hbm>>
      %dma_start3A_754 = tpu.memref_squeeze %dma_start3A_753 : memref<1x1x224x64xf32, #tpu.memory_space<hbm>> -> memref<224x64xf32, #tpu.memory_space<hbm>>
      tpu.enqueue_dma source(%arg9 : memref<224x64xf32, #tpu.memory_space<vmem>>) target(%dma_start3A_754 : memref<224x64xf32, #tpu.memory_space<hbm>>) target_semaphore(%dma_start3A_750 : memref<!tpu.dma_semaphore, #tpu.memory_space<semaphore_mem>>)
      %dma_start3A_755 = arith.constant 1 : i32
      %dma_start3A_756 = arith.constant 1 : i32
      %dma_start3A_757 = arith.constant 0 : i32
      %dma_start3A_758 = arith.constant 64 : i32
      %dma_start3A_759 = tpu.memref_slice %arg5[%dma_start3A_755, %add3A_721, %dma_start3A_757, %dma_start3A_758] : memref<8x224x224x192xf32, #tpu.memory_space<hbm>> -> memref<1x1x224x64xf32, #tpu.memory_space<hbm>>
      %dma_start3A_760 = tpu.memref_squeeze %dma_start3A_759 : memref<1x1x224x64xf32, #tpu.memory_space<hbm>> -> memref<224x64xf32, #tpu.memory_space<hbm>>
      %dma_start3A_761 = tpu.memref_slice %arg11[%dma_start3A_756] : memref<3x!tpu.dma_semaphore, #tpu.memory_space<semaphore_mem>> -> memref<1x!tpu.dma_semaphore, #tpu.memory_space<semaphore_mem>>
      %dma_start3A_762 = tpu.memref_squeeze %dma_start3A_761 : memref<1x!tpu.dma_semaphore, #tpu.memory_space<semaphore_mem>> -> memref<!tpu.dma_semaphore, #tpu.memory_space<semaphore_mem>>
      %dma_start3A_763 = arith.constant 0 : i32
      %dma_start3A_764 = arith.constant 64 : i32
      %dma_start3A_765 = tpu.memref_slice %arg5[%dma_start3A_755, %add3A_721, %dma_start3A_763, %dma_start3A_764] : memref<8x224x224x192xf32, #tpu.memory_space<hbm>> -> memref<1x1x224x64xf32, #tpu.memory_space<hbm>>
      %dma_start3A_766 = tpu.memref_squeeze %dma_start3A_765 : memref<1x1x224x64xf32, #tpu.memory_space<hbm>> -> memref<224x64xf32, #tpu.memory_space<hbm>>
      tpu.enqueue_dma source(%arg9 : memref<224x64xf32, #tpu.memory_space<vmem>>) target(%dma_start3A_766 : memref<224x64xf32, #tpu.memory_space<hbm>>) target_semaphore(%dma_start3A_762 : memref<!tpu.dma_semaphore, #tpu.memory_space<semaphore_mem>>)
      %dma_start3A_767 = arith.constant 2 : i32
      %dma_start3A_768 = arith.constant 1 : i32
      %dma_start3A_769 = arith.constant 0 : i32
      %dma_start3A_770 = arith.constant 64 : i32
      %dma_start3A_771 = tpu.memref_slice %arg5[%dma_start3A_767, %add3A_721, %dma_start3A_769, %dma_start3A_770] : memref<8x224x224x192xf32, #tpu.memory_space<hbm>> -> memref<1x1x224x64xf32, #tpu.memory_space<hbm>>
      %dma_start3A_772 = tpu.memref_squeeze %dma_start3A_771 : memref<1x1x224x64xf32, #tpu.memory_space<hbm>> -> memref<224x64xf32, #tpu.memory_space<hbm>>
      %dma_start3A_773 = tpu.memref_slice %arg11[%dma_start3A_768] : memref<3x!tpu.dma_semaphore, #tpu.memory_space<semaphore_mem>> -> memref<1x!tpu.dma_semaphore, #tpu.memory_space<semaphore_mem>>
      %dma_start3A_774 = tpu.memref_squeeze %dma_start3A_773 : memref<1x!tpu.dma_semaphore, #tpu.memory_space<semaphore_mem>> -> memref<!tpu.dma_semaphore, #tpu.memory_space<semaphore_mem>>
      %dma_start3A_775 = arith.constant 0 : i32
      %dma_start3A_776 = arith.constant 64 : i32
      %dma_start3A_777 = tpu.memref_slice %arg5[%dma_start3A_767, %add3A_721, %dma_start3A_775, %dma_start3A_776] : memref<8x224x224x192xf32, #tpu.memory_space<hbm>> -> memref<1x1x224x64xf32, #tpu.memory_space<hbm>>
      %dma_start3A_778 = tpu.memref_squeeze %dma_start3A_777 : memref<1x1x224x64xf32, #tpu.memory_space<hbm>> -> memref<224x64xf32, #tpu.memory_space<hbm>>
      tpu.enqueue_dma source(%arg9 : memref<224x64xf32, #tpu.memory_space<vmem>>) target(%dma_start3A_778 : memref<224x64xf32, #tpu.memory_space<hbm>>) target_semaphore(%dma_start3A_774 : memref<!tpu.dma_semaphore, #tpu.memory_space<semaphore_mem>>)
      %dma_start3A_779 = arith.constant 3 : i32
      %dma_start3A_780 = arith.constant 1 : i32
      %dma_start3A_781 = arith.constant 0 : i32
      %dma_start3A_782 = arith.constant 64 : i32
      %dma_start3A_783 = tpu.memref_slice %arg5[%dma_start3A_779, %add3A_721, %dma_start3A_781, %dma_start3A_782] : memref<8x224x224x192xf32, #tpu.memory_space<hbm>> -> memref<1x1x224x64xf32, #tpu.memory_space<hbm>>
      %dma_start3A_784 = tpu.memref_squeeze %dma_start3A_783 : memref<1x1x224x64xf32, #tpu.memory_space<hbm>> -> memref<224x64xf32, #tpu.memory_space<hbm>>
      %dma_start3A_785 = tpu.memref_slice %arg11[%dma_start3A_780] : memref<3x!tpu.dma_semaphore, #tpu.memory_space<semaphore_mem>> -> memref<1x!tpu.dma_semaphore, #tpu.memory_space<semaphore_mem>>
      %dma_start3A_786 = tpu.memref_squeeze %dma_start3A_785 : memref<1x!tpu.dma_semaphore, #tpu.memory_space<semaphore_mem>> -> memref<!tpu.dma_semaphore, #tpu.memory_space<semaphore_mem>>
      %dma_start3A_787 = arith.constant 0 : i32
      %dma_start3A_788 = arith.constant 64 : i32
      %dma_start3A_789 = tpu.memref_slice %arg5[%dma_start3A_779, %add3A_721, %dma_start3A_787, %dma_start3A_788] : memref<8x224x224x192xf32, #tpu.memory_space<hbm>> -> memref<1x1x224x64xf32, #tpu.memory_space<hbm>>
      %dma_start3A_790 = tpu.memref_squeeze %dma_start3A_789 : memref<1x1x224x64xf32, #tpu.memory_space<hbm>> -> memref<224x64xf32, #tpu.memory_space<hbm>>
      tpu.enqueue_dma source(%arg9 : memref<224x64xf32, #tpu.memory_space<vmem>>) target(%dma_start3A_790 : memref<224x64xf32, #tpu.memory_space<hbm>>) target_semaphore(%dma_start3A_786 : memref<!tpu.dma_semaphore, #tpu.memory_space<semaphore_mem>>)
      %dma_start3A_791 = arith.constant 4 : i32
      %dma_start3A_792 = arith.constant 1 : i32
      %dma_start3A_793 = arith.constant 0 : i32
      %dma_start3A_794 = arith.constant 64 : i32
      %dma_start3A_795 = tpu.memref_slice %arg5[%dma_start3A_791, %add3A_721, %dma_start3A_793, %dma_start3A_794] : memref<8x224x224x192xf32, #tpu.memory_space<hbm>> -> memref<1x1x224x64xf32, #tpu.memory_space<hbm>>
      %dma_start3A_796 = tpu.memref_squeeze %dma_start3A_795 : memref<1x1x224x64xf32, #tpu.memory_space<hbm>> -> memref<224x64xf32, #tpu.memory_space<hbm>>
      %dma_start3A_797 = tpu.memref_slice %arg11[%dma_start3A_792] : memref<3x!tpu.dma_semaphore, #tpu.memory_space<semaphore_mem>> -> memref<1x!tpu.dma_semaphore, #tpu.memory_space<semaphore_mem>>
      %dma_start3A_798 = tpu.memref_squeeze %dma_start3A_797 : memref<1x!tpu.dma_semaphore, #tpu.memory_space<semaphore_mem>> -> memref<!tpu.dma_semaphore, #tpu.memory_space<semaphore_mem>>
      %dma_start3A_799 = arith.constant 0 : i32
      %dma_start3A_800 = arith.constant 64 : i32
      %dma_start3A_801 = tpu.memref_slice %arg5[%dma_start3A_791, %add3A_721, %dma_start3A_799, %dma_start3A_800] : memref<8x224x224x192xf32, #tpu.memory_space<hbm>> -> memref<1x1x224x64xf32, #tpu.memory_space<hbm>>
      %dma_start3A_802 = tpu.memref_squeeze %dma_start3A_801 : memref<1x1x224x64xf32, #tpu.memory_space<hbm>> -> memref<224x64xf32, #tpu.memory_space<hbm>>
      tpu.enqueue_dma source(%arg9 : memref<224x64xf32, #tpu.memory_space<vmem>>) target(%dma_start3A_802 : memref<224x64xf32, #tpu.memory_space<hbm>>) target_semaphore(%dma_start3A_798 : memref<!tpu.dma_semaphore, #tpu.memory_space<semaphore_mem>>)
      %dma_start3A_803 = arith.constant 5 : i32
      %dma_start3A_804 = arith.constant 1 : i32
      %dma_start3A_805 = arith.constant 0 : i32
      %dma_start3A_806 = arith.constant 64 : i32
      %dma_start3A_807 = tpu.memref_slice %arg5[%dma_start3A_803, %add3A_721, %dma_start3A_805, %dma_start3A_806] : memref<8x224x224x192xf32, #tpu.memory_space<hbm>> -> memref<1x1x224x64xf32, #tpu.memory_space<hbm>>
      %dma_start3A_808 = tpu.memref_squeeze %dma_start3A_807 : memref<1x1x224x64xf32, #tpu.memory_space<hbm>> -> memref<224x64xf32, #tpu.memory_space<hbm>>
      %dma_start3A_809 = tpu.memref_slice %arg11[%dma_start3A_804] : memref<3x!tpu.dma_semaphore, #tpu.memory_space<semaphore_mem>> -> memref<1x!tpu.dma_semaphore, #tpu.memory_space<semaphore_mem>>
      %dma_start3A_810 = tpu.memref_squeeze %dma_start3A_809 : memref<1x!tpu.dma_semaphore, #tpu.memory_space<semaphore_mem>> -> memref<!tpu.dma_semaphore, #tpu.memory_space<semaphore_mem>>
      %dma_start3A_811 = arith.constant 0 : i32
      %dma_start3A_812 = arith.constant 64 : i32
      %dma_start3A_813 = tpu.memref_slice %arg5[%dma_start3A_803, %add3A_721, %dma_start3A_811, %dma_start3A_812] : memref<8x224x224x192xf32, #tpu.memory_space<hbm>> -> memref<1x1x224x64xf32, #tpu.memory_space<hbm>>
      %dma_start3A_814 = tpu.memref_squeeze %dma_start3A_813 : memref<1x1x224x64xf32, #tpu.memory_space<hbm>> -> memref<224x64xf32, #tpu.memory_space<hbm>>
      tpu.enqueue_dma source(%arg9 : memref<224x64xf32, #tpu.memory_space<vmem>>) target(%dma_start3A_814 : memref<224x64xf32, #tpu.memory_space<hbm>>) target_semaphore(%dma_start3A_810 : memref<!tpu.dma_semaphore, #tpu.memory_space<semaphore_mem>>)
      %dma_start3A_815 = arith.constant 6 : i32
      %dma_start3A_816 = arith.constant 1 : i32
      %dma_start3A_817 = arith.constant 0 : i32
      %dma_start3A_818 = arith.constant 64 : i32
      %dma_start3A_819 = tpu.memref_slice %arg5[%dma_start3A_815, %add3A_721, %dma_start3A_817, %dma_start3A_818] : memref<8x224x224x192xf32, #tpu.memory_space<hbm>> -> memref<1x1x224x64xf32, #tpu.memory_space<hbm>>
      %dma_start3A_820 = tpu.memref_squeeze %dma_start3A_819 : memref<1x1x224x64xf32, #tpu.memory_space<hbm>> -> memref<224x64xf32, #tpu.memory_space<hbm>>
      %dma_start3A_821 = tpu.memref_slice %arg11[%dma_start3A_816] : memref<3x!tpu.dma_semaphore, #tpu.memory_space<semaphore_mem>> -> memref<1x!tpu.dma_semaphore, #tpu.memory_space<semaphore_mem>>
      %dma_start3A_822 = tpu.memref_squeeze %dma_start3A_821 : memref<1x!tpu.dma_semaphore, #tpu.memory_space<semaphore_mem>> -> memref<!tpu.dma_semaphore, #tpu.memory_space<semaphore_mem>>
      %dma_start3A_823 = arith.constant 0 : i32
      %dma_start3A_824 = arith.constant 64 : i32
      %dma_start3A_825 = tpu.memref_slice %arg5[%dma_start3A_815, %add3A_721, %dma_start3A_823, %dma_start3A_824] : memref<8x224x224x192xf32, #tpu.memory_space<hbm>> -> memref<1x1x224x64xf32, #tpu.memory_space<hbm>>
      %dma_start3A_826 = tpu.memref_squeeze %dma_start3A_825 : memref<1x1x224x64xf32, #tpu.memory_space<hbm>> -> memref<224x64xf32, #tpu.memory_space<hbm>>
      tpu.enqueue_dma source(%arg9 : memref<224x64xf32, #tpu.memory_space<vmem>>) target(%dma_start3A_826 : memref<224x64xf32, #tpu.memory_space<hbm>>) target_semaphore(%dma_start3A_822 : memref<!tpu.dma_semaphore, #tpu.memory_space<semaphore_mem>>)
      %dma_start3A_827 = arith.constant 7 : i32
      %dma_start3A_828 = arith.constant 1 : i32
      %dma_start3A_829 = arith.constant 0 : i32
      %dma_start3A_830 = arith.constant 64 : i32
      %dma_start3A_831 = tpu.memref_slice %arg5[%dma_start3A_827, %add3A_721, %dma_start3A_829, %dma_start3A_830] : memref<8x224x224x192xf32, #tpu.memory_space<hbm>> -> memref<1x1x224x64xf32, #tpu.memory_space<hbm>>
      %dma_start3A_832 = tpu.memref_squeeze %dma_start3A_831 : memref<1x1x224x64xf32, #tpu.memory_space<hbm>> -> memref<224x64xf32, #tpu.memory_space<hbm>>
      %dma_start3A_833 = tpu.memref_slice %arg11[%dma_start3A_828] : memref<3x!tpu.dma_semaphore, #tpu.memory_space<semaphore_mem>> -> memref<1x!tpu.dma_semaphore, #tpu.memory_space<semaphore_mem>>
      %dma_start3A_834 = tpu.memref_squeeze %dma_start3A_833 : memref<1x!tpu.dma_semaphore, #tpu.memory_space<semaphore_mem>> -> memref<!tpu.dma_semaphore, #tpu.memory_space<semaphore_mem>>
      %dma_start3A_835 = arith.constant 0 : i32
      %dma_start3A_836 = arith.constant 64 : i32
      %dma_start3A_837 = tpu.memref_slice %arg5[%dma_start3A_827, %add3A_721, %dma_start3A_835, %dma_start3A_836] : memref<8x224x224x192xf32, #tpu.memory_space<hbm>> -> memref<1x1x224x64xf32, #tpu.memory_space<hbm>>
      %dma_start3A_838 = tpu.memref_squeeze %dma_start3A_837 : memref<1x1x224x64xf32, #tpu.memory_space<hbm>> -> memref<224x64xf32, #tpu.memory_space<hbm>>
      tpu.enqueue_dma source(%arg9 : memref<224x64xf32, #tpu.memory_space<vmem>>) target(%dma_start3A_838 : memref<224x64xf32, #tpu.memory_space<hbm>>) target_semaphore(%dma_start3A_834 : memref<!tpu.dma_semaphore, #tpu.memory_space<semaphore_mem>>)
      %dma_wait3A_839 = arith.constant 0 : i32
      %dma_wait3A_840 = arith.constant 1 : i32
      %dma_wait3A_841 = arith.constant 0 : i32
      %dma_wait3A_842 = arith.constant 64 : i32
      %dma_wait3A_843 = tpu.memref_slice %arg5[%dma_wait3A_839, %add3A_721, %dma_wait3A_841, %dma_wait3A_842] : memref<8x224x224x192xf32, #tpu.memory_space<hbm>> -> memref<1x1x224x64xf32, #tpu.memory_space<hbm>>
      %dma_wait3A_844 = tpu.memref_squeeze %dma_wait3A_843 : memref<1x1x224x64xf32, #tpu.memory_space<hbm>> -> memref<224x64xf32, #tpu.memory_space<hbm>>
      %dma_wait3A_845 = tpu.memref_slice %arg11[%dma_wait3A_840] : memref<3x!tpu.dma_semaphore, #tpu.memory_space<semaphore_mem>> -> memref<1x!tpu.dma_semaphore, #tpu.memory_space<semaphore_mem>>
      %dma_wait3A_846 = tpu.memref_squeeze %dma_wait3A_845 : memref<1x!tpu.dma_semaphore, #tpu.memory_space<semaphore_mem>> -> memref<!tpu.dma_semaphore, #tpu.memory_space<semaphore_mem>>
      %dma_wait3A_847 = arith.constant 0 : i32
      %dma_wait3A_848 = arith.constant 64 : i32
      %dma_wait3A_849 = tpu.memref_slice %arg5[%dma_wait3A_839, %add3A_721, %dma_wait3A_847, %dma_wait3A_848] : memref<8x224x224x192xf32, #tpu.memory_space<hbm>> -> memref<1x1x224x64xf32, #tpu.memory_space<hbm>>
      %dma_wait3A_850 = tpu.memref_squeeze %dma_wait3A_849 : memref<1x1x224x64xf32, #tpu.memory_space<hbm>> -> memref<224x64xf32, #tpu.memory_space<hbm>>
      tpu.wait_dma2 semaphore(%dma_wait3A_846 : memref<!tpu.dma_semaphore, #tpu.memory_space<semaphore_mem>>) src(%arg9 : memref<224x64xf32, #tpu.memory_space<vmem>>) dst(%dma_wait3A_850 : memref<224x64xf32, #tpu.memory_space<hbm>>)
      %dma_wait3A_851 = arith.constant 1 : i32
      %dma_wait3A_852 = arith.constant 1 : i32
      %dma_wait3A_853 = arith.constant 0 : i32
      %dma_wait3A_854 = arith.constant 64 : i32
      %dma_wait3A_855 = tpu.memref_slice %arg5[%dma_wait3A_851, %add3A_721, %dma_wait3A_853, %dma_wait3A_854] : memref<8x224x224x192xf32, #tpu.memory_space<hbm>> -> memref<1x1x224x64xf32, #tpu.memory_space<hbm>>
      %dma_wait3A_856 = tpu.memref_squeeze %dma_wait3A_855 : memref<1x1x224x64xf32, #tpu.memory_space<hbm>> -> memref<224x64xf32, #tpu.memory_space<hbm>>
      %dma_wait3A_857 = tpu.memref_slice %arg11[%dma_wait3A_852] : memref<3x!tpu.dma_semaphore, #tpu.memory_space<semaphore_mem>> -> memref<1x!tpu.dma_semaphore, #tpu.memory_space<semaphore_mem>>
      %dma_wait3A_858 = tpu.memref_squeeze %dma_wait3A_857 : memref<1x!tpu.dma_semaphore, #tpu.memory_space<semaphore_mem>> -> memref<!tpu.dma_semaphore, #tpu.memory_space<semaphore_mem>>
      %dma_wait3A_859 = arith.constant 0 : i32
      %dma_wait3A_860 = arith.constant 64 : i32
      %dma_wait3A_861 = tpu.memref_slice %arg5[%dma_wait3A_851, %add3A_721, %dma_wait3A_859, %dma_wait3A_860] : memref<8x224x224x192xf32, #tpu.memory_space<hbm>> -> memref<1x1x224x64xf32, #tpu.memory_space<hbm>>
      %dma_wait3A_862 = tpu.memref_squeeze %dma_wait3A_861 : memref<1x1x224x64xf32, #tpu.memory_space<hbm>> -> memref<224x64xf32, #tpu.memory_space<hbm>>
      tpu.wait_dma2 semaphore(%dma_wait3A_858 : memref<!tpu.dma_semaphore, #tpu.memory_space<semaphore_mem>>) src(%arg9 : memref<224x64xf32, #tpu.memory_space<vmem>>) dst(%dma_wait3A_862 : memref<224x64xf32, #tpu.memory_space<hbm>>)
      %dma_wait3A_863 = arith.constant 2 : i32
      %dma_wait3A_864 = arith.constant 1 : i32
      %dma_wait3A_865 = arith.constant 0 : i32
      %dma_wait3A_866 = arith.constant 64 : i32
      %dma_wait3A_867 = tpu.memref_slice %arg5[%dma_wait3A_863, %add3A_721, %dma_wait3A_865, %dma_wait3A_866] : memref<8x224x224x192xf32, #tpu.memory_space<hbm>> -> memref<1x1x224x64xf32, #tpu.memory_space<hbm>>
      %dma_wait3A_868 = tpu.memref_squeeze %dma_wait3A_867 : memref<1x1x224x64xf32, #tpu.memory_space<hbm>> -> memref<224x64xf32, #tpu.memory_space<hbm>>
      %dma_wait3A_869 = tpu.memref_slice %arg11[%dma_wait3A_864] : memref<3x!tpu.dma_semaphore, #tpu.memory_space<semaphore_mem>> -> memref<1x!tpu.dma_semaphore, #tpu.memory_space<semaphore_mem>>
      %dma_wait3A_870 = tpu.memref_squeeze %dma_wait3A_869 : memref<1x!tpu.dma_semaphore, #tpu.memory_space<semaphore_mem>> -> memref<!tpu.dma_semaphore, #tpu.memory_space<semaphore_mem>>
      %dma_wait3A_871 = arith.constant 0 : i32
      %dma_wait3A_872 = arith.constant 64 : i32
      %dma_wait3A_873 = tpu.memref_slice %arg5[%dma_wait3A_863, %add3A_721, %dma_wait3A_871, %dma_wait3A_872] : memref<8x224x224x192xf32, #tpu.memory_space<hbm>> -> memref<1x1x224x64xf32, #tpu.memory_space<hbm>>
      %dma_wait3A_874 = tpu.memref_squeeze %dma_wait3A_873 : memref<1x1x224x64xf32, #tpu.memory_space<hbm>> -> memref<224x64xf32, #tpu.memory_space<hbm>>
      tpu.wait_dma2 semaphore(%dma_wait3A_870 : memref<!tpu.dma_semaphore, #tpu.memory_space<semaphore_mem>>) src(%arg9 : memref<224x64xf32, #tpu.memory_space<vmem>>) dst(%dma_wait3A_874 : memref<224x64xf32, #tpu.memory_space<hbm>>)
      %dma_wait3A_875 = arith.constant 3 : i32
      %dma_wait3A_876 = arith.constant 1 : i32
      %dma_wait3A_877 = arith.constant 0 : i32
      %dma_wait3A_878 = arith.constant 64 : i32
      %dma_wait3A_879 = tpu.memref_slice %arg5[%dma_wait3A_875, %add3A_721, %dma_wait3A_877, %dma_wait3A_878] : memref<8x224x224x192xf32, #tpu.memory_space<hbm>> -> memref<1x1x224x64xf32, #tpu.memory_space<hbm>>
      %dma_wait3A_880 = tpu.memref_squeeze %dma_wait3A_879 : memref<1x1x224x64xf32, #tpu.memory_space<hbm>> -> memref<224x64xf32, #tpu.memory_space<hbm>>
      %dma_wait3A_881 = tpu.memref_slice %arg11[%dma_wait3A_876] : memref<3x!tpu.dma_semaphore, #tpu.memory_space<semaphore_mem>> -> memref<1x!tpu.dma_semaphore, #tpu.memory_space<semaphore_mem>>
      %dma_wait3A_882 = tpu.memref_squeeze %dma_wait3A_881 : memref<1x!tpu.dma_semaphore, #tpu.memory_space<semaphore_mem>> -> memref<!tpu.dma_semaphore, #tpu.memory_space<semaphore_mem>>
      %dma_wait3A_883 = arith.constant 0 : i32
      %dma_wait3A_884 = arith.constant 64 : i32
      %dma_wait3A_885 = tpu.memref_slice %arg5[%dma_wait3A_875, %add3A_721, %dma_wait3A_883, %dma_wait3A_884] : memref<8x224x224x192xf32, #tpu.memory_space<hbm>> -> memref<1x1x224x64xf32, #tpu.memory_space<hbm>>
      %dma_wait3A_886 = tpu.memref_squeeze %dma_wait3A_885 : memref<1x1x224x64xf32, #tpu.memory_space<hbm>> -> memref<224x64xf32, #tpu.memory_space<hbm>>
      tpu.wait_dma2 semaphore(%dma_wait3A_882 : memref<!tpu.dma_semaphore, #tpu.memory_space<semaphore_mem>>) src(%arg9 : memref<224x64xf32, #tpu.memory_space<vmem>>) dst(%dma_wait3A_886 : memref<224x64xf32, #tpu.memory_space<hbm>>)
      %dma_wait3A_887 = arith.constant 4 : i32
      %dma_wait3A_888 = arith.constant 1 : i32
      %dma_wait3A_889 = arith.constant 0 : i32
      %dma_wait3A_890 = arith.constant 64 : i32
      %dma_wait3A_891 = tpu.memref_slice %arg5[%dma_wait3A_887, %add3A_721, %dma_wait3A_889, %dma_wait3A_890] : memref<8x224x224x192xf32, #tpu.memory_space<hbm>> -> memref<1x1x224x64xf32, #tpu.memory_space<hbm>>
      %dma_wait3A_892 = tpu.memref_squeeze %dma_wait3A_891 : memref<1x1x224x64xf32, #tpu.memory_space<hbm>> -> memref<224x64xf32, #tpu.memory_space<hbm>>
      %dma_wait3A_893 = tpu.memref_slice %arg11[%dma_wait3A_888] : memref<3x!tpu.dma_semaphore, #tpu.memory_space<semaphore_mem>> -> memref<1x!tpu.dma_semaphore, #tpu.memory_space<semaphore_mem>>
      %dma_wait3A_894 = tpu.memref_squeeze %dma_wait3A_893 : memref<1x!tpu.dma_semaphore, #tpu.memory_space<semaphore_mem>> -> memref<!tpu.dma_semaphore, #tpu.memory_space<semaphore_mem>>
      %dma_wait3A_895 = arith.constant 0 : i32
      %dma_wait3A_896 = arith.constant 64 : i32
      %dma_wait3A_897 = tpu.memref_slice %arg5[%dma_wait3A_887, %add3A_721, %dma_wait3A_895, %dma_wait3A_896] : memref<8x224x224x192xf32, #tpu.memory_space<hbm>> -> memref<1x1x224x64xf32, #tpu.memory_space<hbm>>
      %dma_wait3A_898 = tpu.memref_squeeze %dma_wait3A_897 : memref<1x1x224x64xf32, #tpu.memory_space<hbm>> -> memref<224x64xf32, #tpu.memory_space<hbm>>
      tpu.wait_dma2 semaphore(%dma_wait3A_894 : memref<!tpu.dma_semaphore, #tpu.memory_space<semaphore_mem>>) src(%arg9 : memref<224x64xf32, #tpu.memory_space<vmem>>) dst(%dma_wait3A_898 : memref<224x64xf32, #tpu.memory_space<hbm>>)
      %dma_wait3A_899 = arith.constant 5 : i32
      %dma_wait3A_900 = arith.constant 1 : i32
      %dma_wait3A_901 = arith.constant 0 : i32
      %dma_wait3A_902 = arith.constant 64 : i32
      %dma_wait3A_903 = tpu.memref_slice %arg5[%dma_wait3A_899, %add3A_721, %dma_wait3A_901, %dma_wait3A_902] : memref<8x224x224x192xf32, #tpu.memory_space<hbm>> -> memref<1x1x224x64xf32, #tpu.memory_space<hbm>>
      %dma_wait3A_904 = tpu.memref_squeeze %dma_wait3A_903 : memref<1x1x224x64xf32, #tpu.memory_space<hbm>> -> memref<224x64xf32, #tpu.memory_space<hbm>>
      %dma_wait3A_905 = tpu.memref_slice %arg11[%dma_wait3A_900] : memref<3x!tpu.dma_semaphore, #tpu.memory_space<semaphore_mem>> -> memref<1x!tpu.dma_semaphore, #tpu.memory_space<semaphore_mem>>
      %dma_wait3A_906 = tpu.memref_squeeze %dma_wait3A_905 : memref<1x!tpu.dma_semaphore, #tpu.memory_space<semaphore_mem>> -> memref<!tpu.dma_semaphore, #tpu.memory_space<semaphore_mem>>
      %dma_wait3A_907 = arith.constant 0 : i32
      %dma_wait3A_908 = arith.constant 64 : i32
      %dma_wait3A_909 = tpu.memref_slice %arg5[%dma_wait3A_899, %add3A_721, %dma_wait3A_907, %dma_wait3A_908] : memref<8x224x224x192xf32, #tpu.memory_space<hbm>> -> memref<1x1x224x64xf32, #tpu.memory_space<hbm>>
      %dma_wait3A_910 = tpu.memref_squeeze %dma_wait3A_909 : memref<1x1x224x64xf32, #tpu.memory_space<hbm>> -> memref<224x64xf32, #tpu.memory_space<hbm>>
      tpu.wait_dma2 semaphore(%dma_wait3A_906 : memref<!tpu.dma_semaphore, #tpu.memory_space<semaphore_mem>>) src(%arg9 : memref<224x64xf32, #tpu.memory_space<vmem>>) dst(%dma_wait3A_910 : memref<224x64xf32, #tpu.memory_space<hbm>>)
      %dma_wait3A_911 = arith.constant 6 : i32
      %dma_wait3A_912 = arith.constant 1 : i32
      %dma_wait3A_913 = arith.constant 0 : i32
      %dma_wait3A_914 = arith.constant 64 : i32
      %dma_wait3A_915 = tpu.memref_slice %arg5[%dma_wait3A_911, %add3A_721, %dma_wait3A_913, %dma_wait3A_914] : memref<8x224x224x192xf32, #tpu.memory_space<hbm>> -> memref<1x1x224x64xf32, #tpu.memory_space<hbm>>
      %dma_wait3A_916 = tpu.memref_squeeze %dma_wait3A_915 : memref<1x1x224x64xf32, #tpu.memory_space<hbm>> -> memref<224x64xf32, #tpu.memory_space<hbm>>
      %dma_wait3A_917 = tpu.memref_slice %arg11[%dma_wait3A_912] : memref<3x!tpu.dma_semaphore, #tpu.memory_space<semaphore_mem>> -> memref<1x!tpu.dma_semaphore, #tpu.memory_space<semaphore_mem>>
      %dma_wait3A_918 = tpu.memref_squeeze %dma_wait3A_917 : memref<1x!tpu.dma_semaphore, #tpu.memory_space<semaphore_mem>> -> memref<!tpu.dma_semaphore, #tpu.memory_space<semaphore_mem>>
      %dma_wait3A_919 = arith.constant 0 : i32
      %dma_wait3A_920 = arith.constant 64 : i32
      %dma_wait3A_921 = tpu.memref_slice %arg5[%dma_wait3A_911, %add3A_721, %dma_wait3A_919, %dma_wait3A_920] : memref<8x224x224x192xf32, #tpu.memory_space<hbm>> -> memref<1x1x224x64xf32, #tpu.memory_space<hbm>>
      %dma_wait3A_922 = tpu.memref_squeeze %dma_wait3A_921 : memref<1x1x224x64xf32, #tpu.memory_space<hbm>> -> memref<224x64xf32, #tpu.memory_space<hbm>>
      tpu.wait_dma2 semaphore(%dma_wait3A_918 : memref<!tpu.dma_semaphore, #tpu.memory_space<semaphore_mem>>) src(%arg9 : memref<224x64xf32, #tpu.memory_space<vmem>>) dst(%dma_wait3A_922 : memref<224x64xf32, #tpu.memory_space<hbm>>)
      %dma_wait3A_923 = arith.constant 7 : i32
      %dma_wait3A_924 = arith.constant 1 : i32
      %dma_wait3A_925 = arith.constant 0 : i32
      %dma_wait3A_926 = arith.constant 64 : i32
      %dma_wait3A_927 = tpu.memref_slice %arg5[%dma_wait3A_923, %add3A_721, %dma_wait3A_925, %dma_wait3A_926] : memref<8x224x224x192xf32, #tpu.memory_space<hbm>> -> memref<1x1x224x64xf32, #tpu.memory_space<hbm>>
      %dma_wait3A_928 = tpu.memref_squeeze %dma_wait3A_927 : memref<1x1x224x64xf32, #tpu.memory_space<hbm>> -> memref<224x64xf32, #tpu.memory_space<hbm>>
      %dma_wait3A_929 = tpu.memref_slice %arg11[%dma_wait3A_924] : memref<3x!tpu.dma_semaphore, #tpu.memory_space<semaphore_mem>> -> memref<1x!tpu.dma_semaphore, #tpu.memory_space<semaphore_mem>>
      %dma_wait3A_930 = tpu.memref_squeeze %dma_wait3A_929 : memref<1x!tpu.dma_semaphore, #tpu.memory_space<semaphore_mem>> -> memref<!tpu.dma_semaphore, #tpu.memory_space<semaphore_mem>>
      %dma_wait3A_931 = arith.constant 0 : i32
      %dma_wait3A_932 = arith.constant 64 : i32
      %dma_wait3A_933 = tpu.memref_slice %arg5[%dma_wait3A_923, %add3A_721, %dma_wait3A_931, %dma_wait3A_932] : memref<8x224x224x192xf32, #tpu.memory_space<hbm>> -> memref<1x1x224x64xf32, #tpu.memory_space<hbm>>
      %dma_wait3A_934 = tpu.memref_squeeze %dma_wait3A_933 : memref<1x1x224x64xf32, #tpu.memory_space<hbm>> -> memref<224x64xf32, #tpu.memory_space<hbm>>
      tpu.wait_dma2 semaphore(%dma_wait3A_930 : memref<!tpu.dma_semaphore, #tpu.memory_space<semaphore_mem>>) src(%arg9 : memref<224x64xf32, #tpu.memory_space<vmem>>) dst(%dma_wait3A_934 : memref<224x64xf32, #tpu.memory_space<hbm>>)
    }
    %scan3A_484 = arith.constant 7 : i32
    %rem3A_485 = arith.constant 8 : i32
    %rem3A_486 = arith.remsi %add3A, %rem3A_485 : i32
    %jit3A_487 = arith.constant 8 : i32
    %div3A_488 = arith.divsi %add3A, %jit3A_487 : i32
    %sign3A_489 = arith.constant 0 : i32
    %sign3A_490 = arith.cmpi sgt, %add3A, %sign3A_489 : i32
    %sign3A_491 = arith.extui %sign3A_490 : i1 to i32
    %sign3A_492 = arith.constant 0 : i32
    %sign3A_493 = arith.cmpi slt, %add3A, %sign3A_492 : i32
    %sign3A_494 = arith.extui %sign3A_493 : i1 to i32
    %sign3A_495 = arith.subi %sign3A_491, %sign3A_494 : i32
    %sign3A_496 = arith.constant 0 : i32
    %sign3A_497 = arith.cmpi sgt, %jit3A_487, %sign3A_496 : i32
    %sign3A_498 = arith.extui %sign3A_497 : i1 to i32
    %sign3A_499 = arith.constant 0 : i32
    %sign3A_500 = arith.cmpi slt, %jit3A_487, %sign3A_499 : i32
    %sign3A_501 = arith.extui %sign3A_500 : i1 to i32
    %sign3A_502 = arith.subi %sign3A_498, %sign3A_501 : i32
    %ne3A_503 = arith.cmpi ne, %sign3A_495, %sign3A_502 : i32
    %rem3A_504 = arith.remsi %add3A, %jit3A_487 : i32
    %ne3A_505 = arith.constant 0 : i32
    %ne3A_506 = arith.cmpi ne, %rem3A_504, %ne3A_505 : i32
    %and3A_507 = arith.andi %ne3A_503, %ne3A_506 : i1
    %sub3A_508 = arith.constant 1 : i32
    %sub3A_509 = arith.subi %div3A_488, %sub3A_508 : i32
    %select_n3A_510 = arith.select %and3A_507, %sub3A_509, %div3A_488 : i32
    %get3A = arith.index_cast %rem3A_486 : i32 to index
    %get3A_511 = arith.constant 0 : index
    %get3A_512 = tpu.vector_load %arg8[%get3A, %get3A_511] {strides = array<i32>} : memref<8x64xf32, #tpu.memory_space<vmem>>, vector<1x16xf32>,
    %get3A_513 = vector.shape_cast %get3A_512 : vector<1x16xf32> to vector<16xf32>
    %get3A_514 = arith.index_cast %rem3A_486 : i32 to index
    %get3A_515 = arith.constant 16 : index
    %get3A_516 = tpu.vector_load %arg8[%get3A_514, %get3A_515] {strides = array<i32>} : memref<8x64xf32, #tpu.memory_space<vmem>>, vector<1x16xf32>,
    %get3A_517 = vector.shape_cast %get3A_516 : vector<1x16xf32> to vector<16xf32>
    %get3A_518 = arith.index_cast %rem3A_486 : i32 to index
    %get3A_519 = arith.constant 32 : index
    %get3A_520 = tpu.vector_load %arg8[%get3A_518, %get3A_519] {strides = array<i32>} : memref<8x64xf32, #tpu.memory_space<vmem>>, vector<1x16xf32>,
    %get3A_521 = vector.shape_cast %get3A_520 : vector<1x16xf32> to vector<16xf32>
    %get3A_522 = arith.index_cast %rem3A_486 : i32 to index
    %get3A_523 = arith.constant 48 : index
    %get3A_524 = tpu.vector_load %arg8[%get3A_522, %get3A_523] {strides = array<i32>} : memref<8x64xf32, #tpu.memory_space<vmem>>, vector<1x16xf32>,
    %get3A_525 = vector.shape_cast %get3A_524 : vector<1x16xf32> to vector<16xf32>
    %scan3A_526 = arith.constant 0 : i32
    %scan3A_527 = arith.constant 0 : i32
    %scan3A_528 = arith.constant 224 : i32
    %scan3A_529 = arith.addi %scan3A_527, %scan3A_528 : i32
    %scan3A_530 = arith.constant 1 : i32
    scf.for %scan3A_718 = %scan3A_527 to %scan3A_529 step %scan3A_530  : i32 {
      %swap3A = arith.index_cast %scan3A_718 : i32 to index
      %swap3A_719 = arith.constant 0 : index
      %swap3A_720 = tpu.vector_load %arg10[%swap3A, %swap3A_719] {strides = array<i32>} : memref<224x64xf32, #tpu.memory_space<vmem>>, vector<1x16xf32>,
      %swap3A_721 = vector.shape_cast %swap3A_720 : vector<1x16xf32> to vector<16xf32>
      %swap3A_722 = vector.shape_cast %get3A_513 : vector<16xf32> to vector<1x16xf32>
      tpu.vector_store %arg10[%swap3A, %swap3A_719], %swap3A_722 {strides = array<i32>} : memref<224x64xf32, #tpu.memory_space<vmem>>, vector<1x16xf32>,
      %swap3A_723 = arith.index_cast %scan3A_718 : i32 to index
      %swap3A_724 = arith.constant 16 : index
      %swap3A_725 = tpu.vector_load %arg10[%swap3A_723, %swap3A_724] {strides = array<i32>} : memref<224x64xf32, #tpu.memory_space<vmem>>, vector<1x16xf32>,
      %swap3A_726 = vector.shape_cast %swap3A_725 : vector<1x16xf32> to vector<16xf32>
      %swap3A_727 = vector.shape_cast %get3A_517 : vector<16xf32> to vector<1x16xf32>
      tpu.vector_store %arg10[%swap3A_723, %swap3A_724], %swap3A_727 {strides = array<i32>} : memref<224x64xf32, #tpu.memory_space<vmem>>, vector<1x16xf32>,
      %swap3A_728 = arith.index_cast %scan3A_718 : i32 to index
      %swap3A_729 = arith.constant 32 : index
      %swap3A_730 = tpu.vector_load %arg10[%swap3A_728, %swap3A_729] {strides = array<i32>} : memref<224x64xf32, #tpu.memory_space<vmem>>, vector<1x16xf32>,
      %swap3A_731 = vector.shape_cast %swap3A_730 : vector<1x16xf32> to vector<16xf32>
      %swap3A_732 = vector.shape_cast %get3A_521 : vector<16xf32> to vector<1x16xf32>
      tpu.vector_store %arg10[%swap3A_728, %swap3A_729], %swap3A_732 {strides = array<i32>} : memref<224x64xf32, #tpu.memory_space<vmem>>, vector<1x16xf32>,
      %swap3A_733 = arith.index_cast %scan3A_718 : i32 to index
      %swap3A_734 = arith.constant 48 : index
      %swap3A_735 = tpu.vector_load %arg10[%swap3A_733, %swap3A_734] {strides = array<i32>} : memref<224x64xf32, #tpu.memory_space<vmem>>, vector<1x16xf32>,
      %swap3A_736 = vector.shape_cast %swap3A_735 : vector<1x16xf32> to vector<16xf32>
      %swap3A_737 = vector.shape_cast %get3A_525 : vector<16xf32> to vector<1x16xf32>
      tpu.vector_store %arg10[%swap3A_733, %swap3A_734], %swap3A_737 {strides = array<i32>} : memref<224x64xf32, #tpu.memory_space<vmem>>, vector<1x16xf32>,
    }
    %scan3A_531 = arith.constant 224 : i32
    %scan3A_532 = arith.constant 0 : i32
    %scan3A_533 = arith.constant 0 : i32
    %scan3A_534 = arith.constant 56 : i32
    %scan3A_535 = arith.addi %scan3A_533, %scan3A_534 : i32
    %scan3A_536 = arith.constant 1 : i32
    scf.for %scan3A_718 = %scan3A_533 to %scan3A_535 step %scan3A_536  : i32 {
      %mul3A_719 = arith.constant 56 : i32
      %mul3A_720 = arith.muli %select_n3A_510, %mul3A_719 : i32
      %add3A_721 = arith.addi %mul3A_720, %scan3A_718 : i32
      %dma_start3A = arith.constant 2 : i32
      %dma_start3A_722 = arith.constant 0 : i32
      %dma_start3A_723 = arith.constant 128 : i32
      %dma_start3A_724 = tpu.memref_slice %arg5[%rem3A_486, %add3A_721, %dma_start3A_722, %dma_start3A_723] : memref<8x224x224x192xf32, #tpu.memory_space<hbm>> -> memref<1x1x224x64xf32, #tpu.memory_space<hbm>>
      %dma_start3A_725 = tpu.memref_squeeze %dma_start3A_724 : memref<1x1x224x64xf32, #tpu.memory_space<hbm>> -> memref<224x64xf32, #tpu.memory_space<hbm>>
      %dma_start3A_726 = tpu.memref_slice %arg11[%dma_start3A] : memref<3x!tpu.dma_semaphore, #tpu.memory_space<semaphore_mem>> -> memref<1x!tpu.dma_semaphore, #tpu.memory_space<semaphore_mem>>
      %dma_start3A_727 = tpu.memref_squeeze %dma_start3A_726 : memref<1x!tpu.dma_semaphore, #tpu.memory_space<semaphore_mem>> -> memref<!tpu.dma_semaphore, #tpu.memory_space<semaphore_mem>>
      %dma_start3A_728 = arith.constant 0 : i32
      %dma_start3A_729 = arith.constant 128 : i32
      %dma_start3A_730 = tpu.memref_slice %arg5[%rem3A_486, %add3A_721, %dma_start3A_728, %dma_start3A_729] : memref<8x224x224x192xf32, #tpu.memory_space<hbm>> -> memref<1x1x224x64xf32, #tpu.memory_space<hbm>>
      %dma_start3A_731 = tpu.memref_squeeze %dma_start3A_730 : memref<1x1x224x64xf32, #tpu.memory_space<hbm>> -> memref<224x64xf32, #tpu.memory_space<hbm>>
      tpu.enqueue_dma source(%arg10 : memref<224x64xf32, #tpu.memory_space<vmem>>) target(%dma_start3A_731 : memref<224x64xf32, #tpu.memory_space<hbm>>) target_semaphore(%dma_start3A_727 : memref<!tpu.dma_semaphore, #tpu.memory_space<semaphore_mem>>)
      %ge3A = arith.constant 12 : i32
      %ge3A_732 = arith.cmpi sge, %scan3A_718, %ge3A : i32
      %convert_element_type3A = arith.extui %ge3A_732 : i1 to i32
      %cond3A = arith.constant 0 : i32
      %cond3A_733 = arith.cmpi ne, %convert_element_type3A, %cond3A : i32
      scf.if %cond3A_733 {
        %mul3A_734 = arith.constant 56 : i32
        %mul3A_735 = arith.muli %select_n3A_510, %mul3A_734 : i32
        %add3A_736 = arith.addi %mul3A_735, %scan3A_718 : i32
        %dma_wait3A_737 = arith.constant 2 : i32
        %dma_wait3A_738 = arith.constant 0 : i32
        %dma_wait3A_739 = arith.constant 128 : i32
        %dma_wait3A_740 = tpu.memref_slice %arg5[%rem3A_486, %add3A_736, %dma_wait3A_738, %dma_wait3A_739] : memref<8x224x224x192xf32, #tpu.memory_space<hbm>> -> memref<1x1x224x64xf32, #tpu.memory_space<hbm>>
        %dma_wait3A_741 = tpu.memref_squeeze %dma_wait3A_740 : memref<1x1x224x64xf32, #tpu.memory_space<hbm>> -> memref<224x64xf32, #tpu.memory_space<hbm>>
        %dma_wait3A_742 = tpu.memref_slice %arg11[%dma_wait3A_737] : memref<3x!tpu.dma_semaphore, #tpu.memory_space<semaphore_mem>> -> memref<1x!tpu.dma_semaphore, #tpu.memory_space<semaphore_mem>>
        %dma_wait3A_743 = tpu.memref_squeeze %dma_wait3A_742 : memref<1x!tpu.dma_semaphore, #tpu.memory_space<semaphore_mem>> -> memref<!tpu.dma_semaphore, #tpu.memory_space<semaphore_mem>>
        %dma_wait3A_744 = arith.constant 0 : i32
        %dma_wait3A_745 = arith.constant 128 : i32
        %dma_wait3A_746 = tpu.memref_slice %arg5[%rem3A_486, %add3A_736, %dma_wait3A_744, %dma_wait3A_745] : memref<8x224x224x192xf32, #tpu.memory_space<hbm>> -> memref<1x1x224x64xf32, #tpu.memory_space<hbm>>
        %dma_wait3A_747 = tpu.memref_squeeze %dma_wait3A_746 : memref<1x1x224x64xf32, #tpu.memory_space<hbm>> -> memref<224x64xf32, #tpu.memory_space<hbm>>
        tpu.wait_dma2 semaphore(%dma_wait3A_743 : memref<!tpu.dma_semaphore, #tpu.memory_space<semaphore_mem>>) src(%arg10 : memref<224x64xf32, #tpu.memory_space<vmem>>) dst(%dma_wait3A_747 : memref<224x64xf32, #tpu.memory_space<hbm>>)
      } else {
      }
    }
    %scan3A_537 = arith.constant 56 : i32
    %mul3A_538 = arith.constant 56 : i32
    %mul3A_539 = arith.muli %select_n3A_510, %mul3A_538 : i32
    %add3A_540 = arith.constant 0 : i32
    %add3A_541 = arith.addi %mul3A_539, %add3A_540 : i32
    %dma_wait3A_542 = arith.constant 2 : i32
    %dma_wait3A_543 = arith.constant 0 : i32
    %dma_wait3A_544 = arith.constant 128 : i32
    %dma_wait3A_545 = tpu.memref_slice %arg5[%rem3A_486, %add3A_541, %dma_wait3A_543, %dma_wait3A_544] : memref<8x224x224x192xf32, #tpu.memory_space<hbm>> -> memref<1x1x224x64xf32, #tpu.memory_space<hbm>>
    %dma_wait3A_546 = tpu.memref_squeeze %dma_wait3A_545 : memref<1x1x224x64xf32, #tpu.memory_space<hbm>> -> memref<224x64xf32, #tpu.memory_space<hbm>>
    %dma_wait3A_547 = tpu.memref_slice %arg11[%dma_wait3A_542] : memref<3x!tpu.dma_semaphore, #tpu.memory_space<semaphore_mem>> -> memref<1x!tpu.dma_semaphore, #tpu.memory_space<semaphore_mem>>
    %dma_wait3A_548 = tpu.memref_squeeze %dma_wait3A_547 : memref<1x!tpu.dma_semaphore, #tpu.memory_space<semaphore_mem>> -> memref<!tpu.dma_semaphore, #tpu.memory_space<semaphore_mem>>
    %dma_wait3A_549 = arith.constant 0 : i32
    %dma_wait3A_550 = arith.constant 128 : i32
    %dma_wait3A_551 = tpu.memref_slice %arg5[%rem3A_486, %add3A_541, %dma_wait3A_549, %dma_wait3A_550] : memref<8x224x224x192xf32, #tpu.memory_space<hbm>> -> memref<1x1x224x64xf32, #tpu.memory_space<hbm>>
    %dma_wait3A_552 = tpu.memref_squeeze %dma_wait3A_551 : memref<1x1x224x64xf32, #tpu.memory_space<hbm>> -> memref<224x64xf32, #tpu.memory_space<hbm>>
    tpu.wait_dma2 semaphore(%dma_wait3A_548 : memref<!tpu.dma_semaphore, #tpu.memory_space<semaphore_mem>>) src(%arg10 : memref<224x64xf32, #tpu.memory_space<vmem>>) dst(%dma_wait3A_552 : memref<224x64xf32, #tpu.memory_space<hbm>>)
    %mul3A_553 = arith.constant 56 : i32
    %mul3A_554 = arith.muli %select_n3A_510, %mul3A_553 : i32
    %add3A_555 = arith.constant 1 : i32
    %add3A_556 = arith.addi %mul3A_554, %add3A_555 : i32
    %dma_wait3A_557 = arith.constant 2 : i32
    %dma_wait3A_558 = arith.constant 0 : i32
    %dma_wait3A_559 = arith.constant 128 : i32
    %dma_wait3A_560 = tpu.memref_slice %arg5[%rem3A_486, %add3A_556, %dma_wait3A_558, %dma_wait3A_559] : memref<8x224x224x192xf32, #tpu.memory_space<hbm>> -> memref<1x1x224x64xf32, #tpu.memory_space<hbm>>
    %dma_wait3A_561 = tpu.memref_squeeze %dma_wait3A_560 : memref<1x1x224x64xf32, #tpu.memory_space<hbm>> -> memref<224x64xf32, #tpu.memory_space<hbm>>
    %dma_wait3A_562 = tpu.memref_slice %arg11[%dma_wait3A_557] : memref<3x!tpu.dma_semaphore, #tpu.memory_space<semaphore_mem>> -> memref<1x!tpu.dma_semaphore, #tpu.memory_space<semaphore_mem>>
    %dma_wait3A_563 = tpu.memref_squeeze %dma_wait3A_562 : memref<1x!tpu.dma_semaphore, #tpu.memory_space<semaphore_mem>> -> memref<!tpu.dma_semaphore, #tpu.memory_space<semaphore_mem>>
    %dma_wait3A_564 = arith.constant 0 : i32
    %dma_wait3A_565 = arith.constant 128 : i32
    %dma_wait3A_566 = tpu.memref_slice %arg5[%rem3A_486, %add3A_556, %dma_wait3A_564, %dma_wait3A_565] : memref<8x224x224x192xf32, #tpu.memory_space<hbm>> -> memref<1x1x224x64xf32, #tpu.memory_space<hbm>>
    %dma_wait3A_567 = tpu.memref_squeeze %dma_wait3A_566 : memref<1x1x224x64xf32, #tpu.memory_space<hbm>> -> memref<224x64xf32, #tpu.memory_space<hbm>>
    tpu.wait_dma2 semaphore(%dma_wait3A_563 : memref<!tpu.dma_semaphore, #tpu.memory_space<semaphore_mem>>) src(%arg10 : memref<224x64xf32, #tpu.memory_space<vmem>>) dst(%dma_wait3A_567 : memref<224x64xf32, #tpu.memory_space<hbm>>)
    %mul3A_568 = arith.constant 56 : i32
    %mul3A_569 = arith.muli %select_n3A_510, %mul3A_568 : i32
    %add3A_570 = arith.constant 2 : i32
    %add3A_571 = arith.addi %mul3A_569, %add3A_570 : i32
    %dma_wait3A_572 = arith.constant 2 : i32
    %dma_wait3A_573 = arith.constant 0 : i32
    %dma_wait3A_574 = arith.constant 128 : i32
    %dma_wait3A_575 = tpu.memref_slice %arg5[%rem3A_486, %add3A_571, %dma_wait3A_573, %dma_wait3A_574] : memref<8x224x224x192xf32, #tpu.memory_space<hbm>> -> memref<1x1x224x64xf32, #tpu.memory_space<hbm>>
    %dma_wait3A_576 = tpu.memref_squeeze %dma_wait3A_575 : memref<1x1x224x64xf32, #tpu.memory_space<hbm>> -> memref<224x64xf32, #tpu.memory_space<hbm>>
    %dma_wait3A_577 = tpu.memref_slice %arg11[%dma_wait3A_572] : memref<3x!tpu.dma_semaphore, #tpu.memory_space<semaphore_mem>> -> memref<1x!tpu.dma_semaphore, #tpu.memory_space<semaphore_mem>>
    %dma_wait3A_578 = tpu.memref_squeeze %dma_wait3A_577 : memref<1x!tpu.dma_semaphore, #tpu.memory_space<semaphore_mem>> -> memref<!tpu.dma_semaphore, #tpu.memory_space<semaphore_mem>>
    %dma_wait3A_579 = arith.constant 0 : i32
    %dma_wait3A_580 = arith.constant 128 : i32
    %dma_wait3A_581 = tpu.memref_slice %arg5[%rem3A_486, %add3A_571, %dma_wait3A_579, %dma_wait3A_580] : memref<8x224x224x192xf32, #tpu.memory_space<hbm>> -> memref<1x1x224x64xf32, #tpu.memory_space<hbm>>
    %dma_wait3A_582 = tpu.memref_squeeze %dma_wait3A_581 : memref<1x1x224x64xf32, #tpu.memory_space<hbm>> -> memref<224x64xf32, #tpu.memory_space<hbm>>
    tpu.wait_dma2 semaphore(%dma_wait3A_578 : memref<!tpu.dma_semaphore, #tpu.memory_space<semaphore_mem>>) src(%arg10 : memref<224x64xf32, #tpu.memory_space<vmem>>) dst(%dma_wait3A_582 : memref<224x64xf32, #tpu.memory_space<hbm>>)
    %mul3A_583 = arith.constant 56 : i32
    %mul3A_584 = arith.muli %select_n3A_510, %mul3A_583 : i32
    %add3A_585 = arith.constant 3 : i32
    %add3A_586 = arith.addi %mul3A_584, %add3A_585 : i32
    %dma_wait3A_587 = arith.constant 2 : i32
    %dma_wait3A_588 = arith.constant 0 : i32
    %dma_wait3A_589 = arith.constant 128 : i32
    %dma_wait3A_590 = tpu.memref_slice %arg5[%rem3A_486, %add3A_586, %dma_wait3A_588, %dma_wait3A_589] : memref<8x224x224x192xf32, #tpu.memory_space<hbm>> -> memref<1x1x224x64xf32, #tpu.memory_space<hbm>>
    %dma_wait3A_591 = tpu.memref_squeeze %dma_wait3A_590 : memref<1x1x224x64xf32, #tpu.memory_space<hbm>> -> memref<224x64xf32, #tpu.memory_space<hbm>>
    %dma_wait3A_592 = tpu.memref_slice %arg11[%dma_wait3A_587] : memref<3x!tpu.dma_semaphore, #tpu.memory_space<semaphore_mem>> -> memref<1x!tpu.dma_semaphore, #tpu.memory_space<semaphore_mem>>
    %dma_wait3A_593 = tpu.memref_squeeze %dma_wait3A_592 : memref<1x!tpu.dma_semaphore, #tpu.memory_space<semaphore_mem>> -> memref<!tpu.dma_semaphore, #tpu.memory_space<semaphore_mem>>
    %dma_wait3A_594 = arith.constant 0 : i32
    %dma_wait3A_595 = arith.constant 128 : i32
    %dma_wait3A_596 = tpu.memref_slice %arg5[%rem3A_486, %add3A_586, %dma_wait3A_594, %dma_wait3A_595] : memref<8x224x224x192xf32, #tpu.memory_space<hbm>> -> memref<1x1x224x64xf32, #tpu.memory_space<hbm>>
    %dma_wait3A_597 = tpu.memref_squeeze %dma_wait3A_596 : memref<1x1x224x64xf32, #tpu.memory_space<hbm>> -> memref<224x64xf32, #tpu.memory_space<hbm>>
    tpu.wait_dma2 semaphore(%dma_wait3A_593 : memref<!tpu.dma_semaphore, #tpu.memory_space<semaphore_mem>>) src(%arg10 : memref<224x64xf32, #tpu.memory_space<vmem>>) dst(%dma_wait3A_597 : memref<224x64xf32, #tpu.memory_space<hbm>>)
    %mul3A_598 = arith.constant 56 : i32
    %mul3A_599 = arith.muli %select_n3A_510, %mul3A_598 : i32
    %add3A_600 = arith.constant 4 : i32
    %add3A_601 = arith.addi %mul3A_599, %add3A_600 : i32
    %dma_wait3A_602 = arith.constant 2 : i32
    %dma_wait3A_603 = arith.constant 0 : i32
    %dma_wait3A_604 = arith.constant 128 : i32
    %dma_wait3A_605 = tpu.memref_slice %arg5[%rem3A_486, %add3A_601, %dma_wait3A_603, %dma_wait3A_604] : memref<8x224x224x192xf32, #tpu.memory_space<hbm>> -> memref<1x1x224x64xf32, #tpu.memory_space<hbm>>
    %dma_wait3A_606 = tpu.memref_squeeze %dma_wait3A_605 : memref<1x1x224x64xf32, #tpu.memory_space<hbm>> -> memref<224x64xf32, #tpu.memory_space<hbm>>
    %dma_wait3A_607 = tpu.memref_slice %arg11[%dma_wait3A_602] : memref<3x!tpu.dma_semaphore, #tpu.memory_space<semaphore_mem>> -> memref<1x!tpu.dma_semaphore, #tpu.memory_space<semaphore_mem>>
    %dma_wait3A_608 = tpu.memref_squeeze %dma_wait3A_607 : memref<1x!tpu.dma_semaphore, #tpu.memory_space<semaphore_mem>> -> memref<!tpu.dma_semaphore, #tpu.memory_space<semaphore_mem>>
    %dma_wait3A_609 = arith.constant 0 : i32
    %dma_wait3A_610 = arith.constant 128 : i32
    %dma_wait3A_611 = tpu.memref_slice %arg5[%rem3A_486, %add3A_601, %dma_wait3A_609, %dma_wait3A_610] : memref<8x224x224x192xf32, #tpu.memory_space<hbm>> -> memref<1x1x224x64xf32, #tpu.memory_space<hbm>>
    %dma_wait3A_612 = tpu.memref_squeeze %dma_wait3A_611 : memref<1x1x224x64xf32, #tpu.memory_space<hbm>> -> memref<224x64xf32, #tpu.memory_space<hbm>>
    tpu.wait_dma2 semaphore(%dma_wait3A_608 : memref<!tpu.dma_semaphore, #tpu.memory_space<semaphore_mem>>) src(%arg10 : memref<224x64xf32, #tpu.memory_space<vmem>>) dst(%dma_wait3A_612 : memref<224x64xf32, #tpu.memory_space<hbm>>)
    %mul3A_613 = arith.constant 56 : i32
    %mul3A_614 = arith.muli %select_n3A_510, %mul3A_613 : i32
    %add3A_615 = arith.constant 5 : i32
    %add3A_616 = arith.addi %mul3A_614, %add3A_615 : i32
    %dma_wait3A_617 = arith.constant 2 : i32
    %dma_wait3A_618 = arith.constant 0 : i32
    %dma_wait3A_619 = arith.constant 128 : i32
    %dma_wait3A_620 = tpu.memref_slice %arg5[%rem3A_486, %add3A_616, %dma_wait3A_618, %dma_wait3A_619] : memref<8x224x224x192xf32, #tpu.memory_space<hbm>> -> memref<1x1x224x64xf32, #tpu.memory_space<hbm>>
    %dma_wait3A_621 = tpu.memref_squeeze %dma_wait3A_620 : memref<1x1x224x64xf32, #tpu.memory_space<hbm>> -> memref<224x64xf32, #tpu.memory_space<hbm>>
    %dma_wait3A_622 = tpu.memref_slice %arg11[%dma_wait3A_617] : memref<3x!tpu.dma_semaphore, #tpu.memory_space<semaphore_mem>> -> memref<1x!tpu.dma_semaphore, #tpu.memory_space<semaphore_mem>>
    %dma_wait3A_623 = tpu.memref_squeeze %dma_wait3A_622 : memref<1x!tpu.dma_semaphore, #tpu.memory_space<semaphore_mem>> -> memref<!tpu.dma_semaphore, #tpu.memory_space<semaphore_mem>>
    %dma_wait3A_624 = arith.constant 0 : i32
    %dma_wait3A_625 = arith.constant 128 : i32
    %dma_wait3A_626 = tpu.memref_slice %arg5[%rem3A_486, %add3A_616, %dma_wait3A_624, %dma_wait3A_625] : memref<8x224x224x192xf32, #tpu.memory_space<hbm>> -> memref<1x1x224x64xf32, #tpu.memory_space<hbm>>
    %dma_wait3A_627 = tpu.memref_squeeze %dma_wait3A_626 : memref<1x1x224x64xf32, #tpu.memory_space<hbm>> -> memref<224x64xf32, #tpu.memory_space<hbm>>
    tpu.wait_dma2 semaphore(%dma_wait3A_623 : memref<!tpu.dma_semaphore, #tpu.memory_space<semaphore_mem>>) src(%arg10 : memref<224x64xf32, #tpu.memory_space<vmem>>) dst(%dma_wait3A_627 : memref<224x64xf32, #tpu.memory_space<hbm>>)
    %mul3A_628 = arith.constant 56 : i32
    %mul3A_629 = arith.muli %select_n3A_510, %mul3A_628 : i32
    %add3A_630 = arith.constant 6 : i32
    %add3A_631 = arith.addi %mul3A_629, %add3A_630 : i32
    %dma_wait3A_632 = arith.constant 2 : i32
    %dma_wait3A_633 = arith.constant 0 : i32
    %dma_wait3A_634 = arith.constant 128 : i32
    %dma_wait3A_635 = tpu.memref_slice %arg5[%rem3A_486, %add3A_631, %dma_wait3A_633, %dma_wait3A_634] : memref<8x224x224x192xf32, #tpu.memory_space<hbm>> -> memref<1x1x224x64xf32, #tpu.memory_space<hbm>>
    %dma_wait3A_636 = tpu.memref_squeeze %dma_wait3A_635 : memref<1x1x224x64xf32, #tpu.memory_space<hbm>> -> memref<224x64xf32, #tpu.memory_space<hbm>>
    %dma_wait3A_637 = tpu.memref_slice %arg11[%dma_wait3A_632] : memref<3x!tpu.dma_semaphore, #tpu.memory_space<semaphore_mem>> -> memref<1x!tpu.dma_semaphore, #tpu.memory_space<semaphore_mem>>
    %dma_wait3A_638 = tpu.memref_squeeze %dma_wait3A_637 : memref<1x!tpu.dma_semaphore, #tpu.memory_space<semaphore_mem>> -> memref<!tpu.dma_semaphore, #tpu.memory_space<semaphore_mem>>
    %dma_wait3A_639 = arith.constant 0 : i32
    %dma_wait3A_640 = arith.constant 128 : i32
    %dma_wait3A_641 = tpu.memref_slice %arg5[%rem3A_486, %add3A_631, %dma_wait3A_639, %dma_wait3A_640] : memref<8x224x224x192xf32, #tpu.memory_space<hbm>> -> memref<1x1x224x64xf32, #tpu.memory_space<hbm>>
    %dma_wait3A_642 = tpu.memref_squeeze %dma_wait3A_641 : memref<1x1x224x64xf32, #tpu.memory_space<hbm>> -> memref<224x64xf32, #tpu.memory_space<hbm>>
    tpu.wait_dma2 semaphore(%dma_wait3A_638 : memref<!tpu.dma_semaphore, #tpu.memory_space<semaphore_mem>>) src(%arg10 : memref<224x64xf32, #tpu.memory_space<vmem>>) dst(%dma_wait3A_642 : memref<224x64xf32, #tpu.memory_space<hbm>>)
    %mul3A_643 = arith.constant 56 : i32
    %mul3A_644 = arith.muli %select_n3A_510, %mul3A_643 : i32
    %add3A_645 = arith.constant 7 : i32
    %add3A_646 = arith.addi %mul3A_644, %add3A_645 : i32
    %dma_wait3A_647 = arith.constant 2 : i32
    %dma_wait3A_648 = arith.constant 0 : i32
    %dma_wait3A_649 = arith.constant 128 : i32
    %dma_wait3A_650 = tpu.memref_slice %arg5[%rem3A_486, %add3A_646, %dma_wait3A_648, %dma_wait3A_649] : memref<8x224x224x192xf32, #tpu.memory_space<hbm>> -> memref<1x1x224x64xf32, #tpu.memory_space<hbm>>
    %dma_wait3A_651 = tpu.memref_squeeze %dma_wait3A_650 : memref<1x1x224x64xf32, #tpu.memory_space<hbm>> -> memref<224x64xf32, #tpu.memory_space<hbm>>
    %dma_wait3A_652 = tpu.memref_slice %arg11[%dma_wait3A_647] : memref<3x!tpu.dma_semaphore, #tpu.memory_space<semaphore_mem>> -> memref<1x!tpu.dma_semaphore, #tpu.memory_space<semaphore_mem>>
    %dma_wait3A_653 = tpu.memref_squeeze %dma_wait3A_652 : memref<1x!tpu.dma_semaphore, #tpu.memory_space<semaphore_mem>> -> memref<!tpu.dma_semaphore, #tpu.memory_space<semaphore_mem>>
    %dma_wait3A_654 = arith.constant 0 : i32
    %dma_wait3A_655 = arith.constant 128 : i32
    %dma_wait3A_656 = tpu.memref_slice %arg5[%rem3A_486, %add3A_646, %dma_wait3A_654, %dma_wait3A_655] : memref<8x224x224x192xf32, #tpu.memory_space<hbm>> -> memref<1x1x224x64xf32, #tpu.memory_space<hbm>>
    %dma_wait3A_657 = tpu.memref_squeeze %dma_wait3A_656 : memref<1x1x224x64xf32, #tpu.memory_space<hbm>> -> memref<224x64xf32, #tpu.memory_space<hbm>>
    tpu.wait_dma2 semaphore(%dma_wait3A_653 : memref<!tpu.dma_semaphore, #tpu.memory_space<semaphore_mem>>) src(%arg10 : memref<224x64xf32, #tpu.memory_space<vmem>>) dst(%dma_wait3A_657 : memref<224x64xf32, #tpu.memory_space<hbm>>)
    %mul3A_658 = arith.constant 56 : i32
    %mul3A_659 = arith.muli %select_n3A_510, %mul3A_658 : i32
    %add3A_660 = arith.constant 8 : i32
    %add3A_661 = arith.addi %mul3A_659, %add3A_660 : i32
    %dma_wait3A_662 = arith.constant 2 : i32
    %dma_wait3A_663 = arith.constant 0 : i32
    %dma_wait3A_664 = arith.constant 128 : i32
    %dma_wait3A_665 = tpu.memref_slice %arg5[%rem3A_486, %add3A_661, %dma_wait3A_663, %dma_wait3A_664] : memref<8x224x224x192xf32, #tpu.memory_space<hbm>> -> memref<1x1x224x64xf32, #tpu.memory_space<hbm>>
    %dma_wait3A_666 = tpu.memref_squeeze %dma_wait3A_665 : memref<1x1x224x64xf32, #tpu.memory_space<hbm>> -> memref<224x64xf32, #tpu.memory_space<hbm>>
    %dma_wait3A_667 = tpu.memref_slice %arg11[%dma_wait3A_662] : memref<3x!tpu.dma_semaphore, #tpu.memory_space<semaphore_mem>> -> memref<1x!tpu.dma_semaphore, #tpu.memory_space<semaphore_mem>>
    %dma_wait3A_668 = tpu.memref_squeeze %dma_wait3A_667 : memref<1x!tpu.dma_semaphore, #tpu.memory_space<semaphore_mem>> -> memref<!tpu.dma_semaphore, #tpu.memory_space<semaphore_mem>>
    %dma_wait3A_669 = arith.constant 0 : i32
    %dma_wait3A_670 = arith.constant 128 : i32
    %dma_wait3A_671 = tpu.memref_slice %arg5[%rem3A_486, %add3A_661, %dma_wait3A_669, %dma_wait3A_670] : memref<8x224x224x192xf32, #tpu.memory_space<hbm>> -> memref<1x1x224x64xf32, #tpu.memory_space<hbm>>
    %dma_wait3A_672 = tpu.memref_squeeze %dma_wait3A_671 : memref<1x1x224x64xf32, #tpu.memory_space<hbm>> -> memref<224x64xf32, #tpu.memory_space<hbm>>
    tpu.wait_dma2 semaphore(%dma_wait3A_668 : memref<!tpu.dma_semaphore, #tpu.memory_space<semaphore_mem>>) src(%arg10 : memref<224x64xf32, #tpu.memory_space<vmem>>) dst(%dma_wait3A_672 : memref<224x64xf32, #tpu.memory_space<hbm>>)
    %mul3A_673 = arith.constant 56 : i32
    %mul3A_674 = arith.muli %select_n3A_510, %mul3A_673 : i32
    %add3A_675 = arith.constant 9 : i32
    %add3A_676 = arith.addi %mul3A_674, %add3A_675 : i32
    %dma_wait3A_677 = arith.constant 2 : i32
    %dma_wait3A_678 = arith.constant 0 : i32
    %dma_wait3A_679 = arith.constant 128 : i32
    %dma_wait3A_680 = tpu.memref_slice %arg5[%rem3A_486, %add3A_676, %dma_wait3A_678, %dma_wait3A_679] : memref<8x224x224x192xf32, #tpu.memory_space<hbm>> -> memref<1x1x224x64xf32, #tpu.memory_space<hbm>>
    %dma_wait3A_681 = tpu.memref_squeeze %dma_wait3A_680 : memref<1x1x224x64xf32, #tpu.memory_space<hbm>> -> memref<224x64xf32, #tpu.memory_space<hbm>>
    %dma_wait3A_682 = tpu.memref_slice %arg11[%dma_wait3A_677] : memref<3x!tpu.dma_semaphore, #tpu.memory_space<semaphore_mem>> -> memref<1x!tpu.dma_semaphore, #tpu.memory_space<semaphore_mem>>
    %dma_wait3A_683 = tpu.memref_squeeze %dma_wait3A_682 : memref<1x!tpu.dma_semaphore, #tpu.memory_space<semaphore_mem>> -> memref<!tpu.dma_semaphore, #tpu.memory_space<semaphore_mem>>
    %dma_wait3A_684 = arith.constant 0 : i32
    %dma_wait3A_685 = arith.constant 128 : i32
    %dma_wait3A_686 = tpu.memref_slice %arg5[%rem3A_486, %add3A_676, %dma_wait3A_684, %dma_wait3A_685] : memref<8x224x224x192xf32, #tpu.memory_space<hbm>> -> memref<1x1x224x64xf32, #tpu.memory_space<hbm>>
    %dma_wait3A_687 = tpu.memref_squeeze %dma_wait3A_686 : memref<1x1x224x64xf32, #tpu.memory_space<hbm>> -> memref<224x64xf32, #tpu.memory_space<hbm>>
    tpu.wait_dma2 semaphore(%dma_wait3A_683 : memref<!tpu.dma_semaphore, #tpu.memory_space<semaphore_mem>>) src(%arg10 : memref<224x64xf32, #tpu.memory_space<vmem>>) dst(%dma_wait3A_687 : memref<224x64xf32, #tpu.memory_space<hbm>>)
    %mul3A_688 = arith.constant 56 : i32
    %mul3A_689 = arith.muli %select_n3A_510, %mul3A_688 : i32
    %add3A_690 = arith.constant 10 : i32
    %add3A_691 = arith.addi %mul3A_689, %add3A_690 : i32
    %dma_wait3A_692 = arith.constant 2 : i32
    %dma_wait3A_693 = arith.constant 0 : i32
    %dma_wait3A_694 = arith.constant 128 : i32
    %dma_wait3A_695 = tpu.memref_slice %arg5[%rem3A_486, %add3A_691, %dma_wait3A_693, %dma_wait3A_694] : memref<8x224x224x192xf32, #tpu.memory_space<hbm>> -> memref<1x1x224x64xf32, #tpu.memory_space<hbm>>
    %dma_wait3A_696 = tpu.memref_squeeze %dma_wait3A_695 : memref<1x1x224x64xf32, #tpu.memory_space<hbm>> -> memref<224x64xf32, #tpu.memory_space<hbm>>
    %dma_wait3A_697 = tpu.memref_slice %arg11[%dma_wait3A_692] : memref<3x!tpu.dma_semaphore, #tpu.memory_space<semaphore_mem>> -> memref<1x!tpu.dma_semaphore, #tpu.memory_space<semaphore_mem>>
    %dma_wait3A_698 = tpu.memref_squeeze %dma_wait3A_697 : memref<1x!tpu.dma_semaphore, #tpu.memory_space<semaphore_mem>> -> memref<!tpu.dma_semaphore, #tpu.memory_space<semaphore_mem>>
    %dma_wait3A_699 = arith.constant 0 : i32
    %dma_wait3A_700 = arith.constant 128 : i32
    %dma_wait3A_701 = tpu.memref_slice %arg5[%rem3A_486, %add3A_691, %dma_wait3A_699, %dma_wait3A_700] : memref<8x224x224x192xf32, #tpu.memory_space<hbm>> -> memref<1x1x224x64xf32, #tpu.memory_space<hbm>>
    %dma_wait3A_702 = tpu.memref_squeeze %dma_wait3A_701 : memref<1x1x224x64xf32, #tpu.memory_space<hbm>> -> memref<224x64xf32, #tpu.memory_space<hbm>>
    tpu.wait_dma2 semaphore(%dma_wait3A_698 : memref<!tpu.dma_semaphore, #tpu.memory_space<semaphore_mem>>) src(%arg10 : memref<224x64xf32, #tpu.memory_space<vmem>>) dst(%dma_wait3A_702 : memref<224x64xf32, #tpu.memory_space<hbm>>)
    %mul3A_703 = arith.constant 56 : i32
    %mul3A_704 = arith.muli %select_n3A_510, %mul3A_703 : i32
    %add3A_705 = arith.constant 11 : i32
    %add3A_706 = arith.addi %mul3A_704, %add3A_705 : i32
    %dma_wait3A_707 = arith.constant 2 : i32
    %dma_wait3A_708 = arith.constant 0 : i32
    %dma_wait3A_709 = arith.constant 128 : i32
    %dma_wait3A_710 = tpu.memref_slice %arg5[%rem3A_486, %add3A_706, %dma_wait3A_708, %dma_wait3A_709] : memref<8x224x224x192xf32, #tpu.memory_space<hbm>> -> memref<1x1x224x64xf32, #tpu.memory_space<hbm>>
    %dma_wait3A_711 = tpu.memref_squeeze %dma_wait3A_710 : memref<1x1x224x64xf32, #tpu.memory_space<hbm>> -> memref<224x64xf32, #tpu.memory_space<hbm>>
    %dma_wait3A_712 = tpu.memref_slice %arg11[%dma_wait3A_707] : memref<3x!tpu.dma_semaphore, #tpu.memory_space<semaphore_mem>> -> memref<1x!tpu.dma_semaphore, #tpu.memory_space<semaphore_mem>>
    %dma_wait3A_713 = tpu.memref_squeeze %dma_wait3A_712 : memref<1x!tpu.dma_semaphore, #tpu.memory_space<semaphore_mem>> -> memref<!tpu.dma_semaphore, #tpu.memory_space<semaphore_mem>>
    %dma_wait3A_714 = arith.constant 0 : i32
    %dma_wait3A_715 = arith.constant 128 : i32
    %dma_wait3A_716 = tpu.memref_slice %arg5[%rem3A_486, %add3A_706, %dma_wait3A_714, %dma_wait3A_715] : memref<8x224x224x192xf32, #tpu.memory_space<hbm>> -> memref<1x1x224x64xf32, #tpu.memory_space<hbm>>
    %dma_wait3A_717 = tpu.memref_squeeze %dma_wait3A_716 : memref<1x1x224x64xf32, #tpu.memory_space<hbm>> -> memref<224x64xf32, #tpu.memory_space<hbm>>
    tpu.wait_dma2 semaphore(%dma_wait3A_713 : memref<!tpu.dma_semaphore, #tpu.memory_space<semaphore_mem>>) src(%arg10 : memref<224x64xf32, #tpu.memory_space<vmem>>) dst(%dma_wait3A_717 : memref<224x64xf32, #tpu.memory_space<hbm>>)
    return
  }
}

</mosaic_0001>

<sc_bundles>
// kernel: kernel.3.cloned.1.call-start
scs
__scs_entry_jumppad:
0x0: {  	(pc) =	sbr.rel $0x88, $3  }
0x1: {  	(tag) =	ssettag $0x0;
	lr =	simm.s32 $0x1  }
0x2: {  	[smem:$0x3F9E] =	sst lr;
	_ =	strace $0xD0000000  }
0x3: {  	_ = 	snop  }
0x4: {  	_ = 	snop  }
0x5: {  	_ = 	snop  }
0x6: {  	_ = 	snop  }
0x7: {  	_ = 	snop  }
__scs_overlays_trampoline_lowered:
0x8: {  	[smem:$0x3FAD] =	sst s0  }
0x9: {  	[smem:$0x3FAE] =	sst s1  }
0xa: {  	[smem:$0x3FAF] =	sst s2  }
0xb: {  	[smem:$0x3FB0] =	sst s3  }
0xc: {  	[smem:$0x3FB1] =	sst s4  }
0xd: {  	[smem:$0x3FB2] =	sst s5  }
0xe: {  	[smem:$0x3FB3] =	sst s6  }
0xf: {  	[smem:$0x3FB4] =	sst s7  }
0x10: {  	[smem:$0x3FB5] =	sst s8  }
0x11: {  	[smem:$0x3FB6] =	sst s9;
	s0 =	simm.s32 @!p0 $0x0  }
0x12: {  	s1 =	sld [smem:$0x3F9C];
	s0 =	simm.s32 @p0 $0x1  }
0x13: {  	[smem:$0x3FB7] =	sst s0;
	s0 =	simm.s32 @!p1 $0x0  }
0x14: {  	s2 =	sld [smem:$0x3F9B];
	s0 =	simm.s32 @p1 $0x1  }
0x15: {  	[smem:$0x3FB8] =	sst s0;
	s0 =	simm.s32 @!p2 $0x0  }
0x16: {  	s3 =	sld [smem:$0x3FDB];
	s0 =	simm.s32 @p2 $0x1  }
0x17: {  	s4 =	simm.s32 $0x1BF5;
	[smem:$0x3FBA] =	sst s0  }
0x18: {  	s0 =	sld [smem:$0x3F9D];
	_ =	swait.ge [sflag:s4], $0x0  }
0x19: {  	s7 =	sld [smem:$0x3F9E]  }
0x1a: {  	s8 =	sadd.s32 $0xFFFFE003, lr  }
0x1b: {  	s9 =	sadd.s32 $0xFFFFFEF7, lr;
	s5 =	simm.s32 $0xFFFFFFFF;
	p2 =	slt.u32 s8, $0xFFFFF086  }
0x1c: {  	p1 =	slt.u32 s9, $0xF7A;
	s5 =	simm.s32 @!p2 $0x0  }
0x1d: {  	s5 =	simm.s32 @p1 $0x1;
	p0 =	seq.s32 s7, s2  }
0x1e: {  	s7 =	smul.u32 @!p0 $0xF7A, s2;
	p2 =	seq.s32 @!p0 s5, $0x0  }
0x1f: {  	s9 =	smul.u32 $0xF7A, s1;
	s8 =	simm.s32 @!p0 $0x1BF5;
	p2 =	por !p2, p0  }
0x20: {  	[sflag:s8] =	ssyncset.s32 @!p0 $0xFFFFF086;
	s6 =	sadd.s32 @!p0 s3, s7;
	s7 =	simm.s32 @!p0 $0x108  }
0x21: {  	s3 =	sadd.s32 s3, s9;
	s6 =	sadd.s32 @!p0 $0x88, s6;
	s7 =	simm.s32 @p2 $0x1082  }
0x22: {  	[simem:s7], [sflag:s8] =	dma.local @!p0 [hbm:s6], $0xF7A  }
0x23: {  	s9 =	sor.u32 $0xD0000000, s2;
	s6 =	simm.s32 $0x108;
	_ =	swait.ge @!p0 [sflag:s8], $0x0  }
0x24: {  	s3 =	sadd.s32 $0x88, s3;
	s6 =	simm.s32 @!p1 $0x1082;
	[sflag:s4] =	ssyncset.s32 $0xFFFFF086  }
0x25: {  	[simem:s6], [sflag:s4] =	dma.local [hbm:s3], $0xF7A  }
0x26: {  	[smem:$0x3F9E] =	sst s1;
	(tag) =	ssettag s2;
	_ =	strace s9  }
0x27: {  	s1 =	sld [smem:$0x3FAE]  }
0x28: {  	s2 =	sld [smem:$0x3FAF]  }
0x29: {  	s4 =	sld [smem:$0x3FB1]  }
0x2a: {  	p0 =	seq.s32 s5, $0x0;
	s5 =	sld [smem:$0x3FB2]  }
0x2b: {  	s6 =	sld [smem:$0x3FB3]  }
0x2c: {  	s7 =	sld [smem:$0x3FB4]  }
0x2d: {  	s3 =	simm.s32 $0x108;
	s8 =	sld [smem:$0x3FB5]  }
0x2e: {  	s3 =	simm.s32 @!p0 $0x1082;
	s9 =	sld [smem:$0x3FB6]  }
0x2f: {  	lr =	sadd.s32 s0, s3;
	s0 =	sld [smem:$0x3FAD]  }
0x30: {  	s3 =	sld [smem:$0x3FB0]  }
0x31: {  	[smem:$0x3FB9] =	sst s10  }
0x32: {  	s10 =	sld [smem:$0x3FB7];
	_ =	sdelay $0x3  }
0x33: {  	p0 =	seq.s32 s10, $0x1;
	s10 =	sld [smem:$0x3FB9];
	_ =	sdelay $0x3  }
0x34: {  	[smem:$0x3FB9] =	sst s10  }
0x35: {  	s10 =	sld [smem:$0x3FB8];
	_ =	sdelay $0x3  }
0x36: {  	p1 =	seq.s32 s10, $0x1;
	s10 =	sld [smem:$0x3FB9];
	_ =	sdelay $0x3  }
0x37: {  	[smem:$0x3FB9] =	sst s10  }
0x38: {  	s10 =	sld [smem:$0x3FBA]  }
0x39: {  	_ = 	snop;
	(pc) =	sbr.ind lr, $3  }
0x3a: {  	_ = 	snop  }
0x3b: {  	_ = 	snop  }
0x3c: {  	p2 =	seq.s32 s10, $0x1;
	s10 =	sld [smem:$0x3FB9]  }
0x3d: {  	_ =	shalt  }
0x3e: {  	_ =	shalt  }
0x3f: {  	_ =	shalt  }
0x40: {  	_ =	shalt  }
0x41: {  	_ =	shalt  }
0x42: {  	_ =	shalt  }
0x43: {  	_ =	shalt  }
0x44: {  	_ =	shalt  }
0x45: {  	_ =	shalt  }
0x46: {  	_ =	shalt  }
0x47: {  	_ =	shalt  }
0x48: {  	_ =	shalt  }
0x49: {  	_ =	shalt  }
0x4a: {  	_ =	shalt  }
0x4b: {  	_ =	shalt  }
0x4c: {  	_ =	shalt  }
0x4d: {  	_ =	shalt  }
0x4e: {  	_ =	shalt  }
0x4f: {  	_ =	shalt  }
0x50: {  	_ =	shalt  }
0x51: {  	_ =	shalt  }
0x52: {  	_ =	shalt  }
0x53: {  	_ =	shalt  }
0x54: {  	_ =	shalt  }
0x55: {  	_ =	shalt  }
0x56: {  	_ =	shalt  }
0x57: {  	_ =	shalt  }
0x58: {  	_ =	shalt  }
0x59: {  	_ =	shalt  }
0x5a: {  	_ =	shalt  }
0x5b: {  	_ =	shalt  }
0x5c: {  	_ =	shalt  }
0x5d: {  	_ =	shalt  }
0x5e: {  	_ =	shalt  }
0x5f: {  	_ =	shalt  }
0x60: {  	_ =	shalt  }
0x61: {  	_ =	shalt  }
0x62: {  	_ =	shalt  }
0x63: {  	_ =	shalt  }
0x64: {  	_ =	shalt  }
0x65: {  	_ =	shalt  }
0x66: {  	_ =	shalt  }
0x67: {  	_ =	shalt  }
0x68: {  	_ =	shalt  }
0x69: {  	_ =	shalt  }
0x6a: {  	_ =	shalt  }
0x6b: {  	_ =	shalt  }
0x6c: {  	_ =	shalt  }
0x6d: {  	_ =	shalt  }
0x6e: {  	_ =	shalt  }
0x6f: {  	_ =	shalt  }
0x70: {  	_ =	shalt  }
0x71: {  	_ =	shalt  }
0x72: {  	_ =	shalt  }
0x73: {  	_ =	shalt  }
0x74: {  	_ =	shalt  }
0x75: {  	_ =	shalt  }
0x76: {  	_ =	shalt  }
0x77: {  	_ =	shalt  }
0x78: {  	_ =	shalt  }
0x79: {  	_ =	shalt  }
0x7a: {  	_ =	shalt  }
0x7b: {  	_ =	shalt  }
0x7c: {  	_ =	shalt  }
0x7d: {  	_ =	shalt  }
0x7e: {  	_ =	shalt  }
0x7f: {  	_ =	shalt  }
0x80: {  	_ =	shalt  }
0x81: {  	_ =	shalt  }
0x82: {  	_ =	shalt  }
0x83: {  	_ =	shalt  }
0x84: {  	_ =	shalt  }
0x85: {  	_ =	shalt  }
0x86: {  	_ =	shalt  }
0x87: {  	_ =	shalt  }
.Lfunc_end0:
.L_simem_size_0:
called_computation.1_lowered:
.L_overlay_start_0:
0x88: {  	s2 =	sld [smem:$0x3FD9]  }
0x89: {  	s3 =	sld [smem:$0x3FFE];
	_ =	sdelay $0x1  }
0x8a: {  	s1 =	srdreg.scid  }
0x8b: {  	s0 =	sand.u32 $0x1, s1  }
0x8c: {  	s17 =	sshll.u32 s0, $0xA;
	s2 =	sadd.s32 s3, s2  }
0x8d: {  	s2 =	sadd.s32 s2, s17  }
0x8e: {  	[smem:$0x3FC5] =	sst s2  }
0x8f: {  	_ = 	snop  }
0x90: {  	s2 =	sld [smem:$0x3FD0];
	(tm) =	ssettm $0x1  }
0x91: {  	s18 =	sld [smem:$0x3FFB];
	_ =	sdelay $0x3  }
0x92: {  	_ =	strace s18  }
0x93: {  	s3 =	sld [smem:$0x3FFC];
	_ =	sdelay $0x3  }
0x94: {  	_ =	strace s3  }
0x95: {  	s3 =	sld [smem:$0x3FFD];
	_ =	sdelay $0x3  }
0x96: {  	_ =	strace s3  }
0x97: {  	_ =	strace $0x8FFFFFFF  }
0x98: {  	s19 =	sld [smem:$0x3FDB];
	_ =	sdelay $0x1  }
0x99: {  	s4 =	simm.s32 $_scs_section_size  }
0x9a: {  	s5 =	simm.s32 $_size__tile_overlayer_lowered;
	s6 =	simm.s32 $_tile_overlayer_lowered  }
0x9b: {  	s22 =	simm.s32 $0x1BFF;
	s21 =	sshll.u32 s6, $0x1;
	s3 =	sadd.s32 s4, s19  }
0x9c: {  	s7 =	simm.s32 $0x0;
	s20 =	sshll.u32 s5, $0x1;
	s5 =	sadd.s32 s21, s3  }
0x9d: {  	[timem:s7], [sflag:s22] =	dma.local [hbm:s5], s20  }
0x9e: {  	_ =	swait.ge [sflag:s22], s20  }
0x9f: {  	s4 =	ssub.s32 $0x0, s20;
	[sflag:s22] =	ssyncset.done $0x0  }
0xa0: {  	[sflag:s22] =	ssyncadd.s32 s4;
	_ =	sdelay $0x1  }
0xa1: {  	s23 =	simm.s32 $0x1B8B  }
0xa2: {  	_ =	swait.ge [sflag:s23], $0x1  }
0xa3: {  	[sflag:s23] =	ssyncset.done $0x0  }
0xa4: {  	s25 =	simm.s32 $0x1B8E;
	s24 =	sld [smem:$0x3FFE];
	[sflag:s23] =	ssyncadd.s32 $0xFFFFFFFF  }
0xa5: {  	s26 =	simm.s32 $execute0_lowered;
	[smem:$0x3FD2] =	sst s25  }
0xa6: {  	s5 =	sshll.u32 s26, $0x1;
	_ =	strace $0x80000046;
	[dreg:$0x1] =	wrdreg $0xFFFFFFFF  }
0xa7: {  	s28 =	simm.s32 $_size_execute0_lowered;
	s3 =	sadd.s32 s3, s5;
	[dreg:$0x0] =	wrdreg $0x0  }
0xa8: {  	s5 =	sshll.u32 s28, $0x1;
	[dreg:$0x2] =	wrdreg s3  }
0xa9: {  	[dreg:$0x3] =	wrdreg s5  }
0xaa: {  	[dreg:$0x4] =	wrdreg $0xC0  }
0xab: {  	_ =	task [dreg:s7], $0x5FFFF  }
0xac: {  	[dreg:$0x1] =	wrdreg $0xFFFFFFFF  }
0xad: {  	[dreg:$0x0] =	wrdreg $0x60  }
0xae: {  	[dreg:$0x2] =	wrdreg s24  }
0xaf: {  	[dreg:$0x3] =	wrdreg s2  }
0xb0: {  	[dreg:$0x4] =	wrdreg $0x9  }
0xb1: {  	_ =	task.clear_ibuf [dreg:s7], $0x5FFFF;
	_ =	strace $0x90000046  }
0xb2: {  	s29 =	simm.s32 $0x9;
	_ =	strace $0x80000048  }
0xb3: {  	_ =	swait.ge [sflag:s29], $0x1  }
0xb4: {  	[sflag:s29] =	ssyncadd.s32 $0xFFFFFFFF  }
0xb5: {  	_ =	strace $0x90000048  }
0xb6: {  	_ =	sfence  }
0xb7: {  	s30 =	sld [smem:$0x0];
	_ =	sdelay $0x2  }
0xb8: {  	s31 =	sshll.u32 s1, $0xD;
	s1 =	sshrl.u32 s1, $0x2  }
0xb9: {  	s3 =	sand.u32 $0x4000, s31;
	s1 =	sadd.s32 s1, s30  }
0xba: {  	s0 =	sor.u32 s3, s0;
	s1 =	sshll.u32 s1, $0x11  }
0xbb: {  	s0 =	sor.u32 s1, s0  }
0xbc: {  	s0 =	sadd.s32 $0x8F2B, s0  }
0xbd: {  	[sflag:s0] =	ssyncadd.remote.s32 $0x1  }
0xbe: {  	_ =	sfence.sel $0xFFFF  }
0xbf: {  	[dreg:$0x0] =	wrdreg $0xFFFFFFFF;
	(pc) =	sbr.abs _section_cstart, $3  }
0xc0: {  	[dreg:$0x1] =	wrdreg $0xFFFFFFFF  }
0xc1: {  	_ =	task.clear_ibuf [dreg:s7], $0x2FFFF;
	_ =	strace $0x9FFFFFFF  }
0xc2: {  	(tm) =	ssettm $0x7FFFFFFF  }
0xc3: {  	_ =	shalt  }
tec
execute0_lowered:
.L_overlay_start_1:
0x0: {  	(tag) =	ssettag $0x1  }
0x1: {  	s6 =	rddreg [dreg:$0x0]  }
0x2: {  	s2 =	rddreg [dreg:$0x1]  }
0x3: {  	s0 =	rddreg [dreg:$0x2]  }
0x4: {  	s3 =	simm.s32 $0x0;
	s4 =	srdreg.scid;
	s1 =	stileid.u32  }
0x5: {  	s15 =	simm.s32 $0x7000;
	s16 =	simm.s32 $0x40;
	s17 =	simm.s32 $0xC0  }
0x6: {  	s18 =	simm.s32 $0x1;
	s19 =	simm.s32 $0x7200;
	s20 =	simm.s32 $0x2  }
0x7: {  	s21 =	simm.s32 $0xAA00;
	s22 =	simm.s32 $0x3;
	s23 =	simm.s32 $0x0  }
0x8: {  	[smem:$0x7FF] =	sst s3;
	s5 =	sand.u32 $0x1, s4;
	s31 =	sshll.u32 s1, $0x1  }
0x9: {  	s9 =	smul.u32 $0x498000, s1;
	s4 =	sadd.s32 $0xA00, s6;
	s12 =	sshrl.u32 s1, $0x2  }
0xa: {  	_ =	strace $0x80000047;
	s7 =	sor.u32 s5, s31;
	s11 =	smul.u32 $0x24C000, s5  }
0xb: {  	s8 =	ssub.s32 $0x2, s5;
	s12 =	smul.u32 $0x24C000, s12;
	s10 =	sand.u32 $0x7, s7  }
0xc: {  	s5 =	sadd.s32 $0x1200, s6;
	s14 =	sshrl.u32 s8, $0x1;
	s13 =	smul.u32 $0x930000, s10  }
0xd: {  	s6 =	sadd.s32 $0x800, s6;
	s7 =	smul.u32 $0x7, s7;
	s14 =	ssub.s32 s8, s14  }
0xe: {  	s8 =	sadd.s32 $0x8, s2;
	s11 =	sadd.s32 s11, s9;
	s12 =	sadd.s32 s12, s13  }
0xf: {  	s9 =	sshll.u32 s10, $0x6;
	s11 =	sshrl.u32 s11, $0x3;
	s12 =	sshrl.u32 s12, $0x3  }
0x10: {  	s10 =	smax.u32 s14, $0x1;
	s14 =	simm.s32 $0x3800;
	s12 =	sadd.s32 s12, s2  }
0x11: {  	s11 =	sadd.s32 s11, s2;
	s13 =	simm.s32 $0x4;
	s12 =	sadd.s32 $0x10, s12  }
.LBB2_1:
0x12: {  	[tilespmem:s3], [sflag:$0x4] =	stream.linear.gather [hbm4b:s5+s3], $0x3800, $0x38;
	[tilespmem:$0xE200] =	vst v63  }
0x13: {  	_ =	swait.ge [sflag:s13], $0x3800  }
0x14: {  	[sflag:s13] =	ssyncset.done $0x0  }
0x15: {  	[sflag:s13] =	ssyncadd.s32 $0xFFFFC800  }
0x16: {  	[tilespmem:s14], [sflag:$0x4] =	stream.linear.gather [hbm4b:s4+s3], $0x3800, $0x38;
	[tilespmem:$0xE200] =	vst v63  }
0x17: {  	_ =	swait.ge [sflag:s13], $0x3800  }
0x18: {  	[sflag:s13] =	ssyncset.done $0x0  }
0x19: {  	[sflag:s13] =	ssyncadd.s32 $0xFFFFC800  }
0x1a: {  	[tilespmem:s15], [sflag:$0x4] =	stream.linear.gather [hbm4b:s6+s3], $0x200, $0x38;
	[tilespmem:$0xE200] =	vst v63  }
0x1b: {  	_ =	swait.ge [sflag:s13], $0x200  }
0x1c: {  	p0 =	por $0x1, $0x1;
	[sflag:s13] =	ssyncset.done $0x0  }
0x1d: {  	s26 =	simm.s32 @!p0 $0x1;
	[sflag:s13] =	ssyncadd.s32 $0xFFFFFE00  }
0x1e: {  	[hbm4b:s11+s16] =	stream.strided.scatter [tilespmem:s3], [sflag:$0x1], $0x3800, s17, s16, $0x38;
	[tilespmem:$0xE200] =	vst v63  }
0x1f: {  	_ =	swait.ge @!p0 [sflag:s26], $0x3800  }
0x20: {  	s24 =	simm.s32 $0x1;
	s25 =	smov.u32 s11;
	[sflag:s26] =	ssyncset.done @!p0 $0x0  }
.LBB2_2:
0x21: {  	[sflag:s26] =	ssyncadd.s32 @!p0 $0xFFFFC800  }
0x22: {  	s25 =	sadd.s32 $0x1500, s25;
	s26 =	smov.u32 s24;
	s24 =	sadd.s32 $0x1, s24  }
0x23: {  	p1 =	sne.s32 s24, $0x38  }
0x24: {  	[hbm4b:s25+s16] =	stream.strided.scatter [tilespmem:s3], [sflag:$0x1], $0x3800, s17, s16, $0x38;
	[tilespmem:$0xE200] =	vst v63  }
.Ltmp0:
0x25: {  	_ = 	snop;
	(pc) =	sbr.rel @p1 .LBB2_2-.Ltmp0, $4  }
0x26: {  	p0 =	slt.u32 s26, $0xC  }
0x27: {  	s26 =	simm.s32 @!p0 $0x1  }
0x28: {  	_ =	swait.ge @!p0 [sflag:s26], $0x3800  }
0x29: {  	[sflag:s26] =	ssyncset.done @!p0 $0x0  }
0x2a: {  	[sflag:s26] =	ssyncadd.s32 @!p0 $0xFFFFC800  }
0x2b: {  	_ =	swait.ge [sflag:s18], $0x3800  }
0x2c: {  	[sflag:s18] =	ssyncset.done $0x0  }
0x2d: {  	[sflag:s18] =	ssyncadd.s32 $0xFFFFC800  }
0x2e: {  	_ =	swait.ge [sflag:s18], $0x3800  }
0x2f: {  	[sflag:s18] =	ssyncset.done $0x0  }
0x30: {  	[sflag:s18] =	ssyncadd.s32 $0xFFFFC800  }
0x31: {  	_ =	swait.ge [sflag:s18], $0x3800  }
0x32: {  	[sflag:s18] =	ssyncset.done $0x0  }
0x33: {  	[sflag:s18] =	ssyncadd.s32 $0xFFFFC800  }
0x34: {  	_ =	swait.ge [sflag:s18], $0x3800  }
0x35: {  	[sflag:s18] =	ssyncset.done $0x0  }
0x36: {  	[sflag:s18] =	ssyncadd.s32 $0xFFFFC800  }
0x37: {  	_ =	swait.ge [sflag:s18], $0x3800  }
0x38: {  	[sflag:s18] =	ssyncset.done $0x0  }
0x39: {  	[sflag:s18] =	ssyncadd.s32 $0xFFFFC800  }
0x3a: {  	_ =	swait.ge [sflag:s18], $0x3800  }
0x3b: {  	[sflag:s18] =	ssyncset.done $0x0  }
0x3c: {  	[sflag:s18] =	ssyncadd.s32 $0xFFFFC800  }
0x3d: {  	_ =	swait.ge [sflag:s18], $0x3800  }
0x3e: {  	[sflag:s18] =	ssyncset.done $0x0  }
0x3f: {  	[sflag:s18] =	ssyncadd.s32 $0xFFFFC800  }
0x40: {  	_ =	swait.ge [sflag:s18], $0x3800  }
0x41: {  	[sflag:s18] =	ssyncset.done $0x0  }
0x42: {  	[sflag:s18] =	ssyncadd.s32 $0xFFFFC800  }
0x43: {  	_ =	swait.ge [sflag:s18], $0x3800  }
0x44: {  	[sflag:s18] =	ssyncset.done $0x0  }
0x45: {  	[sflag:s18] =	ssyncadd.s32 $0xFFFFC800  }
0x46: {  	_ =	swait.ge [sflag:s18], $0x3800  }
0x47: {  	[sflag:s18] =	ssyncset.done $0x0  }
0x48: {  	[sflag:s18] =	ssyncadd.s32 $0xFFFFC800  }
0x49: {  	_ =	swait.ge [sflag:s18], $0x3800  }
0x4a: {  	[sflag:s18] =	ssyncset.done $0x0  }
0x4b: {  	[sflag:s18] =	ssyncadd.s32 $0xFFFFC800  }
0x4c: {  	_ =	swait.ge [sflag:s18], $0x3800  }
0x4d: {  	[sflag:s18] =	ssyncset.done $0x0  }
0x4e: {  	s24 =	simm.s32 $0x0;
	[sflag:s18] =	ssyncadd.s32 $0xFFFFC800  }
.LBB2_4:
0x4f: {  	s25 =	sadd.s32 s7, s24  }
0x50: {  	s26 =	sshll.u32 s25, $0x6  }
0x51: {  	s26 =	sand.u32 $0x3FFFFFC0, s26  }
0x52: {  	v3 =	vld [tilespmem:s26+$0x3830]  }
0x53: {  	v2 =	vld [tilespmem:s26+$0x3820]  }
0x54: {  	v1 =	vld [tilespmem:s26+$0x3800]  }
0x55: {  	v0 =	vld [tilespmem:s26+$0x3810]  }
0x56: {  	s28 =	simm.s32 $0x100;
	s26 =	simm.s32 $0x0  }
.LBB2_5:
0x57: {  	p0 =	sne.s32 s28, $0xDF00;
	[tilespmem:s26+$0x7230] =	vst v3;
	s29 =	smov.u32 s28;
	s28 =	sadd.s32 $0x100, s28  }
.Ltmp1:
0x58: {  	[tilespmem:s26+$0x7220] =	vst v2;
	(pc) =	sbr.rel @p0 .LBB2_5-.Ltmp1, $3  }
0x59: {  	[tilespmem:s26+$0x7200] =	vst v1  }
0x5a: {  	[tilespmem:s26+$0x7210] =	vst v0;
	_ =	sdelay $0x1  }
0x5b: {  	s26 =	sshra.s32 s29, $0x2  }
0x5c: {  	[tilespmem:s26+$0x7230] =	vst v3;
	s25 =	smul.u32 $0xA800, s25  }
0x5d: {  	[tilespmem:s26+$0x7220] =	vst v2  }
0x5e: {  	[tilespmem:s26+$0x7200] =	vst v1;
	s25 =	sshrl.u32 s25, $0x3  }
0x5f: {  	[tilespmem:s26+$0x7210] =	vst v0;
	s29 =	sadd.s32 s25, s8;
	s25 =	sadd.s32 s2, s25  }
0x60: {  	[hbm4b:s29+s16] =	stream.strided.scatter [tilespmem:s19], [sflag:$0x2], $0x3800, s17, s16, $0x38;
	[tilespmem:$0xE200] =	vst v63  }
0x61: {  	s30 =	sadd.s32 $0x126008, s25  }
0x62: {  	[hbm4b:s30+s16] =	stream.strided.scatter [tilespmem:s19], [sflag:$0x2], $0x3800, s17, s16, $0x38;
	[tilespmem:$0xE200] =	vst v63  }
0x63: {  	s31 =	sadd.s32 $0x24C008, s25  }
0x64: {  	[hbm4b:s31+s16] =	stream.strided.scatter [tilespmem:s19], [sflag:$0x2], $0x3800, s17, s16, $0x38;
	[tilespmem:$0xE200] =	vst v63  }
0x65: {  	s28 =	sadd.s32 $0x372008, s25  }
0x66: {  	[hbm4b:s28+s16] =	stream.strided.scatter [tilespmem:s19], [sflag:$0x2], $0x3800, s17, s16, $0x38;
	[tilespmem:$0xE200] =	vst v63  }
0x67: {  	s29 =	sadd.s32 $0x498008, s25  }
0x68: {  	[hbm4b:s29+s16] =	stream.strided.scatter [tilespmem:s19], [sflag:$0x2], $0x3800, s17, s16, $0x38;
	[tilespmem:$0xE200] =	vst v63  }
0x69: {  	s30 =	sadd.s32 $0x5BE008, s25  }
0x6a: {  	[hbm4b:s30+s16] =	stream.strided.scatter [tilespmem:s19], [sflag:$0x2], $0x3800, s17, s16, $0x38;
	[tilespmem:$0xE200] =	vst v63  }
0x6b: {  	s31 =	sadd.s32 $0x6E4008, s25  }
0x6c: {  	[hbm4b:s31+s16] =	stream.strided.scatter [tilespmem:s19], [sflag:$0x2], $0x3800, s17, s16, $0x38;
	[tilespmem:$0xE200] =	vst v63  }
0x6d: {  	s25 =	sadd.s32 $0x80A008, s25  }
0x6e: {  	[hbm4b:s25+s16] =	stream.strided.scatter [tilespmem:s19], [sflag:$0x2], $0x3800, s17, s16, $0x38;
	[tilespmem:$0xE200] =	vst v63  }
0x6f: {  	_ =	swait.ge [sflag:s20], $0x3800  }
0x70: {  	[sflag:s20] =	ssyncset.done $0x0  }
0x71: {  	[sflag:s20] =	ssyncadd.s32 $0xFFFFC800  }
0x72: {  	_ =	swait.ge [sflag:s20], $0x3800  }
0x73: {  	[sflag:s20] =	ssyncset.done $0x0  }
0x74: {  	[sflag:s20] =	ssyncadd.s32 $0xFFFFC800  }
0x75: {  	_ =	swait.ge [sflag:s20], $0x3800  }
0x76: {  	[sflag:s20] =	ssyncset.done $0x0  }
0x77: {  	[sflag:s20] =	ssyncadd.s32 $0xFFFFC800  }
0x78: {  	_ =	swait.ge [sflag:s20], $0x3800  }
0x79: {  	[sflag:s20] =	ssyncset.done $0x0  }
0x7a: {  	[sflag:s20] =	ssyncadd.s32 $0xFFFFC800  }
0x7b: {  	_ =	swait.ge [sflag:s20], $0x3800  }
0x7c: {  	[sflag:s20] =	ssyncset.done $0x0  }
0x7d: {  	[sflag:s20] =	ssyncadd.s32 $0xFFFFC800  }
0x7e: {  	_ =	swait.ge [sflag:s20], $0x3800  }
0x7f: {  	[sflag:s20] =	ssyncset.done $0x0  }
0x80: {  	s24 =	sadd.s32 $0x1, s24;
	[sflag:s20] =	ssyncadd.s32 $0xFFFFC800  }
0x81: {  	p0 =	sne.s32 s24, $0x7;
	_ =	swait.ge [sflag:s20], $0x3800  }
.Ltmp2:
0x82: {  	[sflag:s20] =	ssyncset.done $0x0;
	(pc) =	sbr.rel @p0 .LBB2_4-.Ltmp2, $4  }
0x83: {  	[sflag:s20] =	ssyncadd.s32 $0xFFFFC800  }
0x84: {  	_ =	swait.ge [sflag:s20], $0x3800  }
0x85: {  	[sflag:s20] =	ssyncset.done $0x0  }
0x86: {  	[sflag:s20] =	ssyncadd.s32 $0xFFFFC800  }
0x87: {  	v3 =	vld [tilespmem:s9+$0x7030]  }
0x88: {  	v2 =	vld [tilespmem:s9+$0x7020]  }
0x89: {  	v0 =	vld [tilespmem:s9+$0x7000]  }
0x8a: {  	v1 =	vld [tilespmem:s9+$0x7010]  }
0x8b: {  	s25 =	simm.s32 $0x100;
	s24 =	simm.s32 $0x0  }
.LBB2_8:
0x8c: {  	p0 =	sne.s32 s25, $0xDF00;
	[tilespmem:s24+$0xAA30] =	vst v3;
	s26 =	smov.u32 s25;
	s25 =	sadd.s32 $0x100, s25  }
.Ltmp3:
0x8d: {  	[tilespmem:s24+$0xAA20] =	vst v2;
	(pc) =	sbr.rel @p0 .LBB2_8-.Ltmp3, $3  }
0x8e: {  	[tilespmem:s24+$0xAA00] =	vst v0  }
0x8f: {  	[tilespmem:s24+$0xAA10] =	vst v1;
	_ =	sdelay $0x1  }
0x90: {  	s24 =	sshra.s32 s26, $0x2  }
0x91: {  	[tilespmem:s24+$0xAA30] =	vst v3  }
0x92: {  	[tilespmem:s24+$0xAA20] =	vst v2  }
0x93: {  	[tilespmem:s24+$0xAA00] =	vst v0  }
0x94: {  	[tilespmem:s24+$0xAA10] =	vst v1;
	p0 =	por $0x1, $0x1  }
0x95: {  	[hbm4b:s12+s16] =	stream.strided.scatter [tilespmem:s21], [sflag:$0x3], $0x3800, s17, s16, $0x38;
	[tilespmem:$0xE200] =	vst v63  }
0x96: {  	s26 =	simm.s32 @!p0 $0x3  }
0x97: {  	_ =	swait.ge @!p0 [sflag:s26], $0x3800  }
0x98: {  	s24 =	simm.s32 $0x1;
	s25 =	smov.u32 s12;
	[sflag:s26] =	ssyncset.done @!p0 $0x0  }
.LBB2_10:
0x99: {  	[sflag:s26] =	ssyncadd.s32 @!p0 $0xFFFFC800  }
0x9a: {  	s25 =	sadd.s32 $0x1500, s25;
	s26 =	smov.u32 s24;
	s24 =	sadd.s32 $0x1, s24  }
0x9b: {  	p1 =	sne.s32 s24, $0x38  }
0x9c: {  	[hbm4b:s25+s16] =	stream.strided.scatter [tilespmem:s21], [sflag:$0x3], $0x3800, s17, s16, $0x38;
	[tilespmem:$0xE200] =	vst v63  }
.Ltmp4:
0x9d: {  	_ = 	snop;
	(pc) =	sbr.rel @p1 .LBB2_10-.Ltmp4, $4  }
0x9e: {  	p0 =	slt.u32 s26, $0xC  }
0x9f: {  	s26 =	simm.s32 @!p0 $0x3  }
0xa0: {  	_ =	swait.ge @!p0 [sflag:s26], $0x3800  }
0xa1: {  	[sflag:s26] =	ssyncset.done @!p0 $0x0  }
0xa2: {  	[sflag:s26] =	ssyncadd.s32 @!p0 $0xFFFFC800  }
0xa3: {  	_ =	swait.ge [sflag:s22], $0x3800  }
0xa4: {  	[sflag:s22] =	ssyncset.done $0x0  }
0xa5: {  	[sflag:s22] =	ssyncadd.s32 $0xFFFFC800  }
0xa6: {  	_ =	swait.ge [sflag:s22], $0x3800  }
0xa7: {  	[sflag:s22] =	ssyncset.done $0x0  }
0xa8: {  	[sflag:s22] =	ssyncadd.s32 $0xFFFFC800  }
0xa9: {  	_ =	swait.ge [sflag:s22], $0x3800  }
0xaa: {  	[sflag:s22] =	ssyncset.done $0x0  }
0xab: {  	[sflag:s22] =	ssyncadd.s32 $0xFFFFC800  }
0xac: {  	_ =	swait.ge [sflag:s22], $0x3800  }
0xad: {  	[sflag:s22] =	ssyncset.done $0x0  }
0xae: {  	[sflag:s22] =	ssyncadd.s32 $0xFFFFC800  }
0xaf: {  	_ =	swait.ge [sflag:s22], $0x3800  }
0xb0: {  	[sflag:s22] =	ssyncset.done $0x0  }
0xb1: {  	[sflag:s22] =	ssyncadd.s32 $0xFFFFC800  }
0xb2: {  	_ =	swait.ge [sflag:s22], $0x3800  }
0xb3: {  	[sflag:s22] =	ssyncset.done $0x0  }
0xb4: {  	[sflag:s22] =	ssyncadd.s32 $0xFFFFC800  }
0xb5: {  	_ =	swait.ge [sflag:s22], $0x3800  }
0xb6: {  	[sflag:s22] =	ssyncset.done $0x0  }
0xb7: {  	[sflag:s22] =	ssyncadd.s32 $0xFFFFC800  }
0xb8: {  	_ =	swait.ge [sflag:s22], $0x3800  }
0xb9: {  	[sflag:s22] =	ssyncset.done $0x0  }
0xba: {  	[sflag:s22] =	ssyncadd.s32 $0xFFFFC800  }
0xbb: {  	_ =	swait.ge [sflag:s22], $0x3800  }
0xbc: {  	[sflag:s22] =	ssyncset.done $0x0  }
0xbd: {  	[sflag:s22] =	ssyncadd.s32 $0xFFFFC800  }
0xbe: {  	_ =	swait.ge [sflag:s22], $0x3800  }
0xbf: {  	[sflag:s22] =	ssyncset.done $0x0  }
0xc0: {  	s23 =	sadd.s32 $0x1, s23;
	[sflag:s22] =	ssyncadd.s32 $0xFFFFC800  }
0xc1: {  	p0 =	sne.s32 s23, s10;
	_ =	swait.ge [sflag:s22], $0x3800  }
.Ltmp5:
0xc2: {  	[sflag:s22] =	ssyncset.done $0x0;
	(pc) =	sbr.rel @p0 .LBB2_1-.Ltmp5, $4  }
0xc3: {  	[sflag:s22] =	ssyncadd.s32 $0xFFFFC800  }
0xc4: {  	_ =	swait.ge [sflag:s22], $0x3800  }
0xc5: {  	[sflag:s22] =	ssyncset.done $0x0  }
0xc6: {  	[sflag:s22] =	ssyncadd.s32 $0xFFFFC800  }
0xc7: {  	_ =	sfence.sel $0x180000  }
0xc8: {  	[bflag:$0x0] =	sbarrier.arrive $0xFFFF  }
0xc9: {  	p0 =	sne.s32 s1, $0x0;
	_ =	strace $0x90000047  }
0xca: {  	s0 =	sadd.s32 @!p0 $0x100000, s0;
	[bflag:$0x2] =	sbarrier.arrive $0xFFFF  }
0xcb: {  	[sflag:s0] =	ssyncadd.tile.s32 @!p0 $0x1;
	_ =	shalt  }
.Lfunc_end2:
_tile_overlayer_lowered:
.L_overlay_start_2:
0xcc: {  	(tag) =	ssettag $0x2  }
0xcd: {  	s0 =	rddreg [dreg:$0x0];
	s2 =	stileid.u32  }
0xce: {  	s1 =	rddreg [dreg:$0x1];
	p0 =	sne.s32 s2, $0x0  }
0xcf: {  	s3 =	rddreg [dreg:$0x2];
	[bflag:$0x3] =	sbarrier.arrive $0xFFFF;
	s2 =	simm.s32 @!p0 $0x1C04  }
0xd0: {  	[timem:s3], [sflag:s2] =	dma.local @!p0 [hbm:s0], s1  }
0xd1: {  	s0 =	simm.s32 @!p0 $0x4  }
0xd2: {  	_ =	swait.ge @!p0 [sflag:s0], s1  }
0xd3: {  	s1 =	ssub.s32 @!p0 $0x0, s1;
	[sflag:s0] =	ssyncset.done @!p0 $0x0  }
0xd4: {  	[sflag:s0] =	ssyncadd.s32 @!p0 s1  }
0xd5: {  	[bflag:$0x3] =	sbarrier.arrive $0xFFFF  }
0xd6: {  	_ =	shalt  }

// kernel: sparse-core-data-format-call.cloned.1.call-start
scs
called_computation_lowered:
.L_overlay_start_0:
0x0: {  	s2 =	sld [smem:$0x3FD9]  }
0x1: {  	s3 =	sld [smem:$0x3FFE];
	_ =	sdelay $0x1  }
0x2: {  	s1 =	srdreg.scid  }
0x3: {  	s0 =	sand.u32 $0x1, s1  }
0x4: {  	s18 =	sshll.u32 s0, $0xA;
	s2 =	sadd.s32 s3, s2  }
0x5: {  	s2 =	sadd.s32 s2, s18  }
0x6: {  	[smem:$0x3FC5] =	sst s2  }
0x7: {  	_ = 	snop  }
0x8: {  	s2 =	sld [smem:$0x3FD0];
	(tm) =	ssettm $0x1  }
0x9: {  	s19 =	sld [smem:$0x3FFB];
	_ =	sdelay $0x3  }
0xa: {  	_ =	strace s19  }
0xb: {  	s3 =	sld [smem:$0x3FFC];
	_ =	sdelay $0x3  }
0xc: {  	_ =	strace s3  }
0xd: {  	s3 =	sld [smem:$0x3FFD];
	_ =	sdelay $0x3  }
0xe: {  	_ =	strace s3  }
0xf: {  	_ =	strace $0x8FFFFFFF  }
0x10: {  	s20 =	sld [smem:$0x3FDB];
	_ =	sdelay $0x1  }
0x11: {  	s4 =	simm.s32 $_scs_section_size  }
0x12: {  	s5 =	simm.s32 $_size__tile_overlayer_lowered;
	s6 =	simm.s32 $_tile_overlayer_lowered  }
0x13: {  	s23 =	simm.s32 $0x1BFF;
	s22 =	sshll.u32 s6, $0x1;
	s3 =	sadd.s32 s4, s20  }
0x14: {  	s7 =	simm.s32 $0x0;
	s21 =	sshll.u32 s5, $0x1;
	s5 =	sadd.s32 s22, s3  }
0x15: {  	[timem:s7], [sflag:s23] =	dma.local [hbm:s5], s21  }
0x16: {  	_ =	swait.ge [sflag:s23], s21  }
0x17: {  	s4 =	ssub.s32 $0x0, s21;
	[sflag:s23] =	ssyncset.done $0x0  }
0x18: {  	[sflag:s23] =	ssyncadd.s32 s4;
	_ =	sdelay $0x1  }
0x19: {  	s24 =	simm.s32 $0x1B8B  }
0x1a: {  	_ =	swait.ge [sflag:s24], $0x1  }
0x1b: {  	[sflag:s24] =	ssyncset.done $0x0  }
0x1c: {  	s26 =	simm.s32 $0x1B8E;
	s25 =	sld [smem:$0x3FFE];
	[sflag:s24] =	ssyncadd.s32 $0xFFFFFFFF  }
0x1d: {  	s27 =	simm.s32 $execute0_lowered;
	[smem:$0x3FD2] =	sst s26  }
0x1e: {  	s5 =	sshll.u32 s27, $0x1;
	_ =	strace $0x80000049;
	[dreg:$0x1] =	wrdreg $0xFFFFFFFF  }
0x1f: {  	s28 =	simm.s32 $_size_execute0_lowered;
	s3 =	sadd.s32 s3, s5;
	[dreg:$0x0] =	wrdreg $0x0  }
0x20: {  	s5 =	sshll.u32 s28, $0x1;
	[dreg:$0x2] =	wrdreg s3  }
0x21: {  	[dreg:$0x3] =	wrdreg s5  }
0x22: {  	[dreg:$0x4] =	wrdreg $0xC0  }
0x23: {  	_ =	task [dreg:s7], $0x5FFFF  }
0x24: {  	[dreg:$0x1] =	wrdreg $0xFFFFFFFF  }
0x25: {  	[dreg:$0x0] =	wrdreg $0x60  }
0x26: {  	[dreg:$0x2] =	wrdreg s25  }
0x27: {  	[dreg:$0x3] =	wrdreg s2  }
0x28: {  	[dreg:$0x4] =	wrdreg $0x9  }
0x29: {  	_ =	task.clear_ibuf [dreg:s7], $0x5FFFF;
	_ =	strace $0x90000049  }
0x2a: {  	s29 =	simm.s32 $0x9;
	_ =	strace $0x8000004B  }
0x2b: {  	_ =	swait.ge [sflag:s29], $0x1  }
0x2c: {  	[sflag:s29] =	ssyncadd.s32 $0xFFFFFFFF  }
0x2d: {  	_ =	strace $0x9000004B  }
0x2e: {  	_ =	sfence  }
0x2f: {  	s30 =	sld [smem:$0x0];
	_ =	sdelay $0x2  }
0x30: {  	s31 =	sshll.u32 s1, $0xD;
	s1 =	sshrl.u32 s1, $0x2  }
0x31: {  	s3 =	sand.u32 $0x4000, s31;
	s1 =	sadd.s32 s1, s30  }
0x32: {  	s0 =	sor.u32 s3, s0;
	s1 =	sshll.u32 s1, $0x11  }
0x33: {  	s0 =	sor.u32 s1, s0  }
0x34: {  	s0 =	sadd.s32 $0x8F2B, s0  }
0x35: {  	[sflag:s0] =	ssyncadd.remote.s32 $0x1  }
0x36: {  	_ =	sfence.sel $0xFFFF  }
0x37: {  	[dreg:$0x0] =	wrdreg $0xFFFFFFFF;
	(pc) =	sbr.abs _section_cstart, $3  }
0x38: {  	[dreg:$0x1] =	wrdreg $0xFFFFFFFF  }
0x39: {  	_ =	task.clear_ibuf [dreg:s7], $0x2FFFF;
	_ =	strace $0x9FFFFFFF  }
0x3a: {  	(tm) =	ssettm $0x7FFFFFFF  }
0x3b: {  	_ =	shalt  }
tec
execute0_lowered:
.L_overlay_start_1:
0x0: {  	(tag) =	ssettag $0x1  }
0x1: {  	s0 =	rddreg [dreg:$0x0];
	s1 =	srdreg.scid  }
0x2: {  	_ =	strace $0x8000004A;
	s2 =	stileid.u32;
	s30 =	simm.s32 $0x1  }
0x3: {  	s31 =	simm.s32 $0x2;
	s21 =	simm.s32 $0x0;
	s10 =	simm.s32 $0x800  }
0x4: {  	s20 =	simm.s32 $0x0;
	s22 =	simm.s32 $0x0;
	s23 =	simm.s32 $0x0  }
0x5: {  	s11 =	simm.s32 $0x0;
	s12 =	simm.s32 $0x0;
	s14 =	simm.s32 $0x0  }
0x6: {  	s16 =	simm.s32 $0x0;
	s15 =	simm.s32 $0x0;
	s17 =	simm.s32 $0x0  }
.Ltmp0:
0x7: {  	s0 =	sadd.s32 $0x800, s0;
	s29 =	sshll.u32 s1, $0x4;
	(pc) =	sbr.rel .LBB1_1-.Ltmp0, $4  }
0x8: {  	s13 =	simm.s32 $0x0;
	[dreg:$0x3] =	wrdreg s0;
	s0 =	sand.u32 $0x10, s29  }
0x9: {  	[sflag:s30] =	ssyncpa.u1 $0x0;
	s8 =	sand.u32 $0x7, s2;
	s0 =	sor.u32 s2, s0  }
0xa: {  	[sflag:s31] =	ssyncpa.u1 $0x0;
	[dreg:$0x4] =	wrdreg s8;
	s9 =	sshrl.u32 s0, $0x3  }
0xb: {  	s19 =	smov.u32 s8;
	s18 =	smov.u32 s9;
	[dreg:$0x5] =	wrdreg s9  }
.LBB1_18:
0xc: {  	s11 =	rddreg [dreg:$0x6]  }
0xd: {  	s12 =	rddreg [dreg:$0x7]  }
0xe: {  	s4 =	rddreg [dreg:$0x14]  }
0xf: {  	s5 =	rddreg [dreg:$0x15]  }
0x10: {  	s23 =	rddreg [dreg:$0x13]  }
0x11: {  	s16 =	rddreg [dreg:$0xb]  }
0x12: {  	s14 =	rddreg [dreg:$0x9]  }
0x13: {  	s27 =	rddreg [dreg:$0x1]  }
0x14: {  	s30 =	rddreg [dreg:$0x16]  }
0x15: {  	s8 =	rddreg [dreg:$0x4]  }
0x16: {  	s9 =	rddreg [dreg:$0x5]  }
0x17: {  	s13 =	rddreg [dreg:$0x8]  }
0x18: {  	s15 =	rddreg [dreg:$0xa]  }
0x19: {  	s17 =	rddreg [dreg:$0xc]  }
0x1a: {  	s18 =	rddreg [dreg:$0xd]  }
0x1b: {  	s19 =	rddreg [dreg:$0xe]  }
0x1c: {  	s10 =	simm.s32 $0x800;
	s20 =	rddreg [dreg:$0xf];
	s0 =	sshll.u32 s11, $0x8  }
0x1d: {  	s1 =	sshll.u32 s12, $0x3;
	s2 =	sshll.u32 s11, $0x7;
	p0 =	sgt.s32 s12, $0x80  }
0x1e: {  	s3 =	smov.u32 s12;
	s24 =	sand.u32 $0x78, s12;
	s25 =	smul.u32 $0x150000, s16  }
0x1f: {  	s26 =	smul.u32 $0x1800, s14;
	s28 =	sand.u32 $0x7, s12;
	s0 =	sand.u32 $0xFFFFF800, s0  }
0x20: {  	s1 =	sand.u32 $0xFFFFFC00, s1;
	s21 =	sand.u32 $0x300, s2;
	s3 =	simm.s32 @!p0 $0x80  }
0x21: {  	p0 =	sgt.s32 s11, $0x40;
	s2 =	sand.u32 $0x80, s2;
	s29 =	sshll.u32 s28, $0x12  }
0x22: {  	s0 =	sadd.s32 s1, s0;
	s1 =	smov.u32 s11;
	s3 =	sadd.s32 s4, s3  }
0x23: {  	s2 =	sor.u32 s24, s2;
	s31 =	sor.u32 $0x400, s29;
	s0 =	sor.u32 s21, s0  }
0x24: {  	s1 =	simm.s32 @!p0 $0x40;
	s4 =	sadd.s32 $0xFFFFFF80, s3;
	s0 =	sshrl.u32 s0, $0x8  }
0x25: {  	s3 =	ssub.s32 $0x100, s3;
	s2 =	sshrl.u32 s2, $0x3;
	s22 =	smulhi.u32 $0x1555556, s0  }
0x26: {  	s21 =	rddreg [dreg:$0x10];
	s1 =	sadd.s32 s5, s1;
	p0 =	sgt.s32 s4, $0x7F  }
0x27: {  	s5 =	sadd.s32 $0xFFFFFFC0, s1;
	s3 =	simm.s32 @p0 $0x0;
	s4 =	smul.u32 $0xC0, s22  }
0x28: {  	s1 =	ssub.s32 $0xC0, s1;
	p0 =	sgt.s32 s5, $0x7F;
	s3 =	smul.u32 s23, s3  }
0x29: {  	s1 =	simm.s32 @p0 $0x0;
	s0 =	ssub.s32 s0, s4;
	s4 =	sadd.s32 s27, s25  }
0x2a: {  	s23 =	rddreg [dreg:$0x12];
	s1 =	smul.u32 s1, s3;
	s3 =	sadd.s32 s26, s4  }
0x2b: {  	s22 =	rddreg [dreg:$0x11];
	s0 =	sshll.u32 s0, $0x5;
	s2 =	sadd.s32 s2, s3  }
0x2c: {  	s1 =	sand.u32 $0x3FFFFFFF, s1;
	s4 =	sor.u32 $0x8000, s30;
	s0 =	sadd.s32 s0, s2  }
0x2d: {  	[hbm4b:s0+s31] =	stream.strided.scatter [tilespmem:s4], [sflag:$0x2], s1, s10, s31, $0x20;
	[tilespmem:$0x10100] =	vst v63  }
.LBB1_19:
0x2e: {  	p0 =	slt.u32 s13, $0x2  }
0x2f: {  	s0 =	smov.u32 s23;
	s2 =	smov.u32 s22;
	s5 =	smov.u32 s20  }
0x30: {  	s13 =	sadd.s32 $0x1, s13;
	p1 =	sgt.s32 @!p0 s23, $0x7;
	s1 =	sshra.s32 @!p0 s23, $0x1F  }
0x31: {  	s3 =	sshra.s32 @!p0 s22, $0x1F;
	p3 =	sgt.s32 @!p0 s20, $0x80;
	p1 =	por !p1, p0  }
0x32: {  	s4 =	sshra.s32 @!p0 s20, $0x1F;
	s1 =	sand.u32 @!p0 s1, s23;
	s0 =	simm.s32 @p1 $0x7  }
0x33: {  	s4 =	sand.u32 @!p0 s4, s20;
	p1 =	sgt.s32 @!p0 s22, $0xDF;
	s0 =	ssub.s32 @!p0 s0, s1  }
0x34: {  	s20 =	smov.u32 s12;
	p1 =	por !p1, p0;
	s1 =	sadd.s32 @!p0 $0xFFFFFFF9, s0  }
0x35: {  	s2 =	simm.s32 @p1 $0xDF;
	p2 =	sgt.s32 @!p0 s1, $0x0;
	s1 =	sand.u32 @!p0 s3, s22  }
0x36: {  	s0 =	ssub.s32 @!p0 $0x8, s0;
	p1 =	por !p2, p0;
	s1 =	ssub.s32 @!p0 s2, s1  }
0x37: {  	s3 =	smov.u32 s21;
	s0 =	simm.s32 @!p1 $0x0;
	s2 =	sadd.s32 @!p0 $0xFFFFFF21, s1  }
0x38: {  	p1 =	sgt.s32 @!p0 s21, $0x40;
	p2 =	sgt.s32 @!p0 s2, $0x0;
	s2 =	sshra.s32 @!p0 s21, $0x1F  }
0x39: {  	s1 =	ssub.s32 @!p0 $0xE0, s1;
	p1 =	por !p1, p0;
	s2 =	sand.u32 @!p0 s2, s21  }
0x3a: {  	s3 =	simm.s32 @p1 $0x40;
	p1 =	por !p3, p0;
	p2 =	por !p2, p0  }
0x3b: {  	s5 =	simm.s32 @p1 $0x80;
	s1 =	simm.s32 @!p2 $0x0;
	s2 =	ssub.s32 @!p0 s3, s2  }
0x3c: {  	s3 =	ssub.s32 @!p0 s5, s4;
	s0 =	smul.u32 @!p0 s0, s1;
	s1 =	sadd.s32 @!p0 $0xFFFFFFC0, s2  }
0x3d: {  	s5 =	smov.u32 s17;
	s4 =	sadd.s32 @!p0 $0xFFFFFF80, s3;
	p1 =	sgt.s32 @!p0 s1, $0x7F  }
0x3e: {  	s1 =	ssub.s32 @!p0 $0xC0, s2;
	s2 =	ssub.s32 @!p0 $0x100, s3;
	p2 =	sgt.s32 @!p0 s4, $0x7F  }
0x3f: {  	s3 =	sadd.s32 $0x80, s15;
	s4 =	sadd.s32 $0x80, s17;
	p2 =	por !p2, p0  }
0x40: {  	p1 =	por !p1, p0;
	s2 =	simm.s32 @!p2 $0x0;
	p2 =	sgt.s32 s3, $0xBF  }
0x41: {  	s1 =	simm.s32 @!p1 $0x0;
	s0 =	smul.u32 @!p0 s2, s0;
	s5 =	smov.u32 @p2 s4  }
0x42: {  	s2 =	sadd.s32 $0x4, s18;
	s4 =	smov.u32 s18;
	p1 =	sgt.s32 s5, $0xDF  }
0x43: {  	s3 =	simm.s32 @p2 $0x0;
	s0 =	smul.u32 @!p0 s1, s0;
	s4 =	smov.u32 @p1 s2  }
0x44: {  	s1 =	sadd.s32 $0x8, s19;
	s2 =	smov.u32 s19;
	p2 =	sgt.s32 s4, $0xDF  }
0x45: {  	s23 =	smov.u32 s16;
	s12 =	smov.u32 s17;
	s2 =	smov.u32 @p2 s1  }
0x46: {  	s16 =	smov.u32 s19;
	s5 =	simm.s32 @p1 $0x0;
	p1 =	sgt.s32 s2, $0x7  }
0x47: {  	s22 =	smov.u32 s14;
	s2 =	smov.u32 @p1 s8;
	p1 =	sne.s32 s13, $0xE2  }
.Ltmp1:
0x48: {  	s14 =	smov.u32 s18;
	s21 =	smov.u32 s11;
	(pc) =	sbr.rel @!p1 .LBB1_20-.Ltmp1, $4  }
0x49: {  	s11 =	smov.u32 s15;
	s0 =	sand.u32 @!p0 $0x3FFFFFFF, s0;
	s1 =	simm.s32 @!p0 $0x2  }
0x4a: {  	s15 =	smov.u32 s3;
	s17 =	smov.u32 s5;
	_ =	swait.ge @!p0 [sflag:s1], s0  }
0x4b: {  	s4 =	smov.u32 @p2 s9;
	s0 =	ssub.s32 @!p0 $0x0, s0;
	[sflag:s1] =	ssyncset.done @!p0 $0x0  }
0x4c: {  	s18 =	smov.u32 s4;
	[sflag:s1] =	ssyncadd.s32 @!p0 s0;
	s19 =	smov.u32 s2  }
.LBB1_1:
0x4d: {  	p0 =	sgt.u32 s13, $0xDF  }
.Ltmp2:
0x4e: {  	_ = 	snop;
	(pc) =	sbr.rel @p0 .LBB1_3-.Ltmp2, $1  }
0x4f: {  	_ =	sdelay $0x3  }
0x50: {  	s0 =	sand.u32 $0x78, s15;
	s1 =	sshll.u32 s17, $0x8  }
0x51: {  	s2 =	sshll.u32 s15, $0x3;
	s3 =	sshll.u32 s17, $0x7;
	p0 =	sgt.s32 s19, $0x7  }
0x52: {  	s26 =	sshra.s32 s19, $0x1F;
	s4 =	smov.u32 s18;
	s5 =	sshra.s32 s18, $0x1F  }
0x53: {  	s29 =	sshra.s32 s17, $0x1F;
	s31 =	sshra.s32 s15, $0x1F;
	s1 =	sand.u32 $0xFFFFF800, s1  }
0x54: {  	s2 =	sand.u32 $0xFFFFFC00, s2;
	s25 =	sand.u32 $0x300, s3;
	s3 =	sand.u32 $0x80, s3  }
0x55: {  	s27 =	sand.u32 s5, s18;
	s30 =	sand.u32 s29, s17;
	s29 =	sand.u32 $0x7, s15  }
0x56: {  	s1 =	sadd.s32 s1, s2;
	s0 =	sor.u32 s0, s3;
	s2 =	smov.u32 s19  }
0x57: {  	s3 =	sand.u32 s26, s19;
	s26 =	smul.u32 $0x1C00, s18;
	s1 =	sor.u32 s25, s1  }
0x58: {  	s2 =	simm.s32 @!p0 $0x7;
	p0 =	sgt.s32 s18, $0xDF;
	s25 =	smul.u32 $0x188000, s19  }
0x59: {  	s0 =	sshrl.u32 s0, $0x3;
	s1 =	sshrl.u32 s1, $0x8;
	s2 =	ssub.s32 s2, s3  }
0x5a: {  	s4 =	simm.s32 @!p0 $0xDF;
	s28 =	smulhi.u32 $0x124924A, s1;
	s6 =	sadd.s32 $0xFFFFFFF9, s2  }
0x5b: {  	s3 =	ssub.s32 s4, s27;
	s2 =	ssub.s32 $0x8, s2;
	p0 =	sgt.s32 s6, $0x0  }
0x5c: {  	s4 =	sadd.s32 $0xFFFFFF21, s3;
	s3 =	ssub.s32 $0xE0, s3;
	s6 =	sand.u32 s31, s15  }
0x5d: {  	s2 =	simm.s32 @p0 $0x0;
	p0 =	sgt.s32 s4, $0x0;
	s4 =	smov.u32 s17  }
0x5e: {  	s5 =	smul.u32 $0xE0, s28;
	s3 =	simm.s32 @p0 $0x0;
	p0 =	sgt.s32 s17, $0x60  }
0x5f: {  	s28 =	rddreg [dreg:$0x3];
	s2 =	smul.u32 s2, s3;
	s4 =	simm.s32 @!p0 $0x60  }
0x60: {  	p0 =	sgt.s32 s15, $0x80;
	s3 =	ssub.s32 s4, s30;
	s4 =	smov.u32 s15  }
0x61: {  	s1 =	ssub.s32 s1, s5;
	s7 =	sadd.s32 $0xFFFFFFA0, s3;
	s4 =	simm.s32 @!p0 $0x80  }
0x62: {  	s3 =	ssub.s32 $0xE0, s3;
	p0 =	sgt.s32 s7, $0x7F;
	s4 =	ssub.s32 s4, s6  }
0x63: {  	s1 =	sshll.u32 s1, $0x5;
	s3 =	simm.s32 @p0 $0x0;
	s24 =	sadd.s32 $0xFFFFFF80, s4  }
0x64: {  	s2 =	smul.u32 s3, s2;
	p0 =	sgt.s32 s24, $0x7F;
	s3 =	ssub.s32 $0x100, s4  }
0x65: {  	s30 =	sshll.u32 s29, $0x12;
	s4 =	sadd.s32 s28, s25;
	s3 =	simm.s32 @p0 $0x0  }
0x66: {  	s7 =	sxor.u32 $0xFFFFFFFF, s13;
	s4 =	sadd.s32 s26, s4;
	s2 =	smul.u32 s3, s2  }
0x67: {  	s31 =	sor.u32 $0x400, s30;
	s6 =	sshll.u32 s7, $0xE;
	s0 =	sadd.s32 s0, s4  }
0x68: {  	s27 =	sand.u32 $0x4000, s6;
	s0 =	sadd.s32 s1, s0;
	s2 =	sand.u32 $0x3FFFFFFF, s2  }
0x69: {  	[tilespmem:s27], [sflag:$0x1] =	stream.strided.gather [hbm4b:s0+s31], s2, s10, s31, $0x38;
	[tilespmem:$0x10100] =	vst v63  }
.LBB1_3:
0x6a: {  	p0 =	seq.s32 s13, $0x0  }
0x6b: {  	p1 =	seq.s32 @!p0 s13, $0xE1  }
0x6c: {  	p0 =	por p0, p1  }
.Ltmp3:
0x6d: {  	_ = 	snop;
	(pc) =	sbr.rel @p0 .LBB1_19-.Ltmp3, $1  }
0x6e: {  	_ =	sdelay $0x3  }
0x6f: {  	[dreg:$0x12] =	wrdreg s23  }
0x70: {  	[dreg:$0x11] =	wrdreg s22  }
0x71: {  	[dreg:$0x10] =	wrdreg s21  }
0x72: {  	[dreg:$0xf] =	wrdreg s20  }
0x73: {  	[dreg:$0xe] =	wrdreg s19  }
0x74: {  	[dreg:$0xd] =	wrdreg s18  }
0x75: {  	[dreg:$0xc] =	wrdreg s17  }
0x76: {  	[dreg:$0xa] =	wrdreg s15;
	p0 =	sgt.s32 s16, $0x7;
	s0 =	smov.u32 s16  }
0x77: {  	s1 =	sshra.s32 s16, $0x1F;
	s2 =	sshra.s32 s14, $0x1F;
	s19 =	ssub.s32 $0x0, s12  }
0x78: {  	s20 =	sshra.s32 s12, $0x1F;
	p1 =	sgt.s32 s12, $0x60;
	s4 =	smov.u32 s12  }
0x79: {  	s23 =	ssub.s32 $0x0, s11;
	s24 =	sshra.s32 s11, $0x1F;
	s0 =	simm.s32 @!p0 $0x7  }
0x7a: {  	s1 =	sand.u32 s1, s16;
	p0 =	sgt.s32 s14, $0xDF;
	s2 =	sand.u32 s2, s14  }
0x7b: {  	s4 =	simm.s32 @!p1 $0x60;
	s0 =	ssub.s32 s0, s1;
	s1 =	smov.u32 s14  }
0x7c: {  	s3 =	sadd.s32 $0xFFFFFFF9, s0;
	s1 =	simm.s32 @!p0 $0xDF;
	s0 =	ssub.s32 $0x8, s0  }
0x7d: {  	p0 =	sgt.s32 s3, $0x0;
	s1 =	ssub.s32 s1, s2;
	s2 =	sand.u32 s19, s20  }
0x7e: {  	s3 =	smov.u32 s11;
	s5 =	sadd.s32 $0xFFFFFF21, s1;
	s1 =	ssub.s32 $0xE0, s1  }
0x7f: {  	[dreg:$0x14] =	wrdreg s2;
	s2 =	sadd.s32 s2, s4;
	s0 =	simm.s32 @p0 $0x0  }
0x80: {  	p1 =	sgt.s32 s5, $0x0;
	s21 =	sadd.s32 $0xFFFFFFA0, s2;
	s2 =	ssub.s32 $0xE0, s2  }
0x81: {  	s1 =	simm.s32 @p1 $0x0;
	p0 =	sgt.s32 s21, $0x7F;
	p1 =	sgt.s32 s11, $0x80  }
0x82: {  	s22 =	smul.u32 s0, s1;
	s0 =	sand.u32 s23, s24;
	s3 =	simm.s32 @!p1 $0x80  }
0x83: {  	s2 =	simm.s32 @p0 $0x0;
	[dreg:$0x15] =	wrdreg s0;
	s0 =	sadd.s32 s0, s3  }
0x84: {  	[dreg:$0x6] =	wrdreg s11;
	s25 =	smul.u32 s2, s22;
	s26 =	sadd.s32 $0xFFFFFF80, s0  }
0x85: {  	s0 =	ssub.s32 $0x100, s0;
	s2 =	sadd.s32 $0x1, s16;
	p0 =	sgt.s32 s26, $0x7F  }
0x86: {  	s3 =	sadd.s32 $0x1, s14;
	s0 =	simm.s32 @p0 $0x0;
	p0 =	slt.s32 s2, $0x8  }
0x87: {  	[dreg:$0xb] =	wrdreg s16;
	s2 =	simm.s32 @!p0 $0x8;
	p0 =	slt.s32 s3, $0xE0  }
0x88: {  	s1 =	sadd.s32 $0x80, s12;
	s2 =	ssub.s32 s2, s16;
	s3 =	simm.s32 @!p0 $0xE0  }
0x89: {  	p1 =	slt.s32 s1, $0xE0;
	s3 =	ssub.s32 s3, s14;
	p0 =	slt.s32 s2, $0x1  }
0x8a: {  	[dreg:$0x9] =	wrdreg s14;
	s1 =	simm.s32 @!p1 $0xE0;
	p1 =	slt.s32 @!p0 s3, $0x1  }
0x8b: {  	[dreg:$0x7] =	wrdreg s12;
	s27 =	ssub.s32 s1, s12;
	p1 =	por p0, p1  }
0x8c: {  	[dreg:$0x8] =	wrdreg s13;
	p2 =	slt.s32 @!p1 s27, $0x1  }
0x8d: {  	[dreg:$0x13] =	wrdreg s22;
	s0 =	smul.u32 s0, s25;
	p1 =	por p1, p2  }
.Ltmp4:
0x8e: {  	s29 =	simm.s32 $0x1;
	[dreg:$0x17] =	wrdreg s2;
	(pc) =	sbr.rel @p1 .LBB1_18-.Ltmp4, $4  }
0x8f: {  	s28 =	sand.u32 $0x3FFFFFFF, s0;
	s0 =	sand.u32 $0x1, s13;
	[dreg:$0x18] =	wrdreg s3  }
0x90: {  	s31 =	smul.u32 $0x4080, s0;
	_ =	swait.ge [sflag:s29], s28  }
0x91: {  	s30 =	ssub.s32 $0x0, s28;
	[sflag:s29] =	ssyncset.done $0x0  }
0x92: {  	[dreg:$0x16] =	wrdreg s31;
	[sflag:s29] =	ssyncadd.s32 s30  }
0x93: {  	s2 =	rddreg [dreg:$0x6]  }
0x94: {  	s1 =	sadd.s32 $0x80, s2  }
0x95: {  	p1 =	slt.s32 s1, $0xC0  }
0x96: {  	s1 =	simm.s32 @!p1 $0xC0  }
.Ltmp5:
0x97: {  	s1 =	ssub.s32 s1, s2;
	(pc) =	sbr.rel .LBB1_6-.Ltmp5, $4  }
0x98: {  	s30 =	sshll.u32 @!p0 s0, $0xE;
	s0 =	rddreg [dreg:$0x16];
	s2 =	sadd.s32 $0xF, s1  }
0x99: {  	s31 =	sor.u32 @!p0 $0x8000, s0;
	s28 =	sand.u32 $0xFFFFFFF0, s2  }
0x9a: {  	s29 =	sand.u32 @!p0 $0xFFFFFF00, s2;
	s1 =	sshll.u32 s2, $0x3;
	p0 =	slt.s32 s2, $0x100  }
0x9b: {  	s0 =	sand.u32 $0xFFFFF800, s1;
	s1 =	simm.s32 $0x0;
	p1 =	sge.s32 s29, s28  }
.LBB1_17:
0x9c: {  	s1 =	sadd.s32 $0x1, s1;
	s2 =	rddreg [dreg:$0x17]  }
0x9d: {  	p2 =	sne.s32 s1, s2  }
.Ltmp6:
0x9e: {  	_ = 	snop;
	(pc) =	sbr.rel @!p2 .LBB1_18-.Ltmp6, $1  }
0x9f: {  	_ =	sdelay $0x3  }
.LBB1_6:
.Ltmp7:
0xa0: {  	(pc) =	sbr.rel .LBB1_7-.Ltmp7, $2  }
0xa1: {  	_ =	sdelay $0x2  }
0xa2: {  	s2 =	simm.s32 $0x0  }
.LBB1_16:
0xa3: {  	s2 =	sadd.s32 $0x1, s2;
	s3 =	rddreg [dreg:$0x18]  }
0xa4: {  	p2 =	sne.s32 s2, s3  }
.Ltmp8:
0xa5: {  	_ = 	snop;
	(pc) =	sbr.rel @!p2 .LBB1_17-.Ltmp8, $1  }
0xa6: {  	_ =	sdelay $0x3  }
.LBB1_7:
.Ltmp9:
0xa7: {  	s3 =	sadd.s32 s1, s2;
	(pc) =	sbr.rel .LBB1_8-.Ltmp9, $3  }
0xa8: {  	s4 =	sshll.u32 s3, $0x10;
	s3 =	smul.u32 $0x10200, s3;
	_ =	sdelay $0x1  }
0xa9: {  	s5 =	simm.s32 $0x400;
	s4 =	sshra.s32 s4, $0x2;
	s3 =	sshra.s32 s3, $0x2  }
0xaa: {  	s7 =	sadd.s32 s4, s30;
	s4 =	simm.s32 $0x0;
	s3 =	sadd.s32 s3, s31  }
.LBB1_15:
0xab: {  	s4 =	sadd.s32 $0x1, s4  }
0xac: {  	p2 =	sne.s32 s4, s27  }
.Ltmp10:
0xad: {  	_ = 	snop;
	(pc) =	sbr.rel @!p2 .LBB1_16-.Ltmp10, $2  }
0xae: {  	_ =	sdelay $0x2  }
0xaf: {  	s5 =	sadd.s32 $0x80, s5  }
.LBB1_8:
.Ltmp11:
0xb0: {  	(pc) =	sbr.rel @p0 .LBB1_12-.Ltmp11, $2  }
0xb1: {  	_ =	sdelay $0x2  }
0xb2: {  	s6 =	sshll.u32 s4, $0x7;
	s24 =	sand.u32 $0x7F, s4  }
0xb3: {  	s10 =	sshll.u32 s4, $0x3  }
0xb4: {  	s13 =	sand.u32 $0x380, s6;
	s8 =	sshrl.u32 s10, $0x7  }
0xb5: {  	s9 =	sadd.s32 $0x800, s10;
	s15 =	sadd.s32 $0x1000, s10;
	s18 =	sadd.s32 $0x1800, s10  }
0xb6: {  	s20 =	sadd.s32 $0x2800, s10;
	s26 =	sadd.s32 $0x3000, s10;
	s10 =	sadd.s32 $0x3800, s10  }
0xb7: {  	s11 =	sand.u32 $0x78, s8;
	s9 =	sshrl.u32 s9, $0x7;
	s17 =	sshrl.u32 s15, $0x7  }
0xb8: {  	s15 =	sshrl.u32 s18, $0x7;
	s25 =	sshrl.u32 s20, $0x7;
	s10 =	sshrl.u32 s10, $0x7  }
0xb9: {  	s16 =	sadd.s32 $0x10, s8;
	s12 =	smul.u32 $0x204, s11;
	s9 =	sand.u32 $0x78, s9  }
0xba: {  	s20 =	sadd.s32 $0x30, s8;
	s11 =	sxor.u32 $0x40, s11;
	s14 =	smul.u32 $0x204, s9  }
0xbb: {  	s19 =	sand.u32 $0x78, s15;
	s10 =	sand.u32 $0x78, s10;
	s11 =	smul.u32 $0x204, s11  }
0xbc: {  	s9 =	sadd.s32 s13, s7;
	s13 =	sand.u32 $0x78, s17;
	s10 =	smul.u32 $0x204, s10  }
0xbd: {  	s12 =	sshrl.u32 s12, $0x2;
	s13 =	smul.u32 $0x204, s13;
	v0 =	vmov s9;
	s9 =	sand.u32 $0x3C00, s5  }
0xbe: {  	s12 =	sadd.s32 s12, s3;
	s14 =	sshrl.u32 s14, $0x2;
	s11 =	sshrl.u32 s11, $0x2  }
0xbf: {  	s10 =	sshrl.u32 s10, $0x2;
	s14 =	sadd.s32 s14, s3;
	s21 =	sadd.s32 s24, s12  }
0xc0: {  	s13 =	sshrl.u32 s13, $0x2;
	s12 =	smul.u32 $0x204, s19;
	s11 =	sadd.s32 s11, s3  }
0xc1: {  	s19 =	sadd.s32 $0x20, s8;
	s10 =	sadd.s32 s10, s3;
	s13 =	sadd.s32 s13, s3  }
0xc2: {  	s23 =	sadd.s32 s24, s13;
	s12 =	sshrl.u32 s12, $0x2;
	s13 =	sand.u32 $0x78, s25  }
0xc3: {  	s22 =	sadd.s32 s24, s14;
	s12 =	sadd.s32 s12, s3;
	s13 =	smul.u32 $0x204, s13  }
0xc4: {  	s17 =	sadd.s32 s24, s11;
	s18 =	sadd.s32 s24, s12;
	s12 =	sshrl.u32 s26, $0x7  }
0xc5: {  	s25 =	sadd.s32 $0x50, s8;
	s14 =	sshrl.u32 s13, $0x2;
	s11 =	sand.u32 $0x78, s12  }
0xc6: {  	s12 =	sadd.s32 s14, s3;
	s15 =	smul.u32 $0x204, s11;
	s14 =	sand.u32 $0x78, s19  }
0xc7: {  	s19 =	sadd.s32 s24, s10;
	s11 =	sadd.s32 s24, s12;
	s12 =	sand.u32 $0x78, s16  }
0xc8: {  	s14 =	smul.u32 $0x204, s14;
	s16 =	sadd.s32 $0x60, s8;
	s8 =	sadd.s32 $0x70, s8  }
0xc9: {  	s13 =	sshrl.u32 s15, $0x2;
	s12 =	smul.u32 $0x204, s12;
	s15 =	sand.u32 $0x78, s25  }
0xca: {  	s26 =	sand.u32 $0x78, s16;
	s8 =	sand.u32 $0x78, s8;
	s25 =	smul.u32 $0x204, s15  }
0xcb: {  	s14 =	sshrl.u32 s14, $0x2;
	s16 =	smul.u32 $0x204, s26;
	s12 =	sshrl.u32 s12, $0x2  }
0xcc: {  	v1 =	vld.idx.msk [tilespmem:v0+s9+$0x0 ss:$0x1], $0xffff;
	s8 =	smul.u32 $0x204, s8;
	s14 =	sadd.s32 s14, s3;
	s10 =	sadd.s32 s12, s3  }
0xcd: {  	s12 =	sand.u32 $0x78, s20;
	s20 =	sadd.s32 s24, s14;
	s14 =	sshrl.u32 s25, $0x2  }
0xce: {  	s25 =	sshrl.u32 s16, $0x2;
	s8 =	sshrl.u32 s8, $0x2;
	s15 =	sadd.s32 s24, s10  }
0xcf: {  	s10 =	sadd.s32 s14, s3;
	s14 =	sadd.s32 s25, s3;
	s26 =	sadd.s32 s8, s3  }
0xd0: {  	s8 =	sadd.s32 s24, s14;
	s14 =	sadd.s32 s24, s26;
	s26 =	sadd.s32 $0xFFFFFC00, s5  }
0xd1: {  	[tilespmem:s21+$0x0 ss:$0x81] =	vst.msk $0xffff, v1;
	v1 =	vld.idx.msk [tilespmem:v0+s9+$0x20 ss:$0x1], $0xffff;
	s16 =	sadd.s32 s24, s10;
	s10 =	sand.u32 $0x3C00, s26  }
0xd2: {  	v2 =	vld.idx.msk [tilespmem:v0+s10+$0x70 ss:$0x1], $0xffff  }
0xd3: {  	v3 =	vld.idx.msk [tilespmem:v0+s10+$0x0 ss:$0x1], $0xffff  }
0xd4: {  	v4 =	vld.idx.msk [tilespmem:v0+s10+$0x10 ss:$0x1], $0xffff  }
0xd5: {  	v5 =	vld.idx.msk [tilespmem:v0+s10+$0x20 ss:$0x1], $0xffff  }
0xd6: {  	v6 =	vld.idx.msk [tilespmem:v0+s10+$0x30 ss:$0x1], $0xffff  }
0xd7: {  	v7 =	vld.idx.msk [tilespmem:v0+s10+$0x40 ss:$0x1], $0xffff;
	[tilespmem:s19+$0x0 ss:$0x81] =	vst.msk $0xffff, v2  }
0xd8: {  	v8 =	vld.idx.msk [tilespmem:v0+s10+$0x50 ss:$0x1], $0xffff;
	[tilespmem:s21+$0x0 ss:$0x81] =	vst.msk $0xffff, v3  }
0xd9: {  	p2 =	sgt.s32 s29, $0x100;
	s12 =	smul.u32 $0x204, s12;
	v9 =	vld.idx.msk [tilespmem:v0+s10+$0x60 ss:$0x1], $0xffff;
	[tilespmem:s22+$0x0 ss:$0x81] =	vst.msk $0xffff, v4  }
.Ltmp12:
0xda: {  	v4 =	vld.idx.msk [tilespmem:v0+s9+$0x10 ss:$0x1], $0xffff;
	[tilespmem:s23+$0x0 ss:$0x81] =	vst.msk $0xffff, v5;
	(pc) =	sbr.rel @!p2 .LBB1_11-.Ltmp12, $4  }
0xdb: {  	[tilespmem:s18+$0x0 ss:$0x81] =	vst.msk $0xffff, v6;
	v2 =	vld.idx.msk [tilespmem:v0+s9+$0x30 ss:$0x1], $0xffff  }
0xdc: {  	s13 =	sadd.s32 s13, s3;
	s12 =	sshrl.u32 s12, $0x2;
	[tilespmem:s17+$0x0 ss:$0x81] =	vst.msk $0xffff, v7;
	v3 =	vld.idx.msk [tilespmem:v0+s9+$0x40 ss:$0x1], $0xffff  }
0xdd: {  	s13 =	sadd.s32 s24, s13;
	s12 =	sadd.s32 s12, s3;
	[tilespmem:s11+$0x0 ss:$0x81] =	vst.msk $0xffff, v8;
	v5 =	vld.idx.msk [tilespmem:v0+s9+$0x50 ss:$0x1], $0xffff  }
0xde: {  	s25 =	sadd.s32 $0x800, s5;
	s10 =	simm.s32 $0x100;
	s12 =	sadd.s32 s24, s12;
	[tilespmem:s13+$0x0 ss:$0x81] =	vst.msk $0xffff, v9;
	v6 =	vld.idx.msk [tilespmem:v0+s9+$0x60 ss:$0x1], $0xffff  }
.LBB1_10:
0xdf: {  	s26 =	sadd.s32 $0xFFFFFC00, s25;
	s10 =	sadd.s32 $0x100, s10;
	[tilespmem:s15+$0x0 ss:$0x81] =	vst.msk $0xffff, v4;
	v4 =	vld.idx.msk [tilespmem:v0+s9+$0x70 ss:$0x1], $0xffff;
	s9 =	sand.u32 $0x3C00, s25  }
0xe0: {  	s26 =	sand.u32 $0x3C00, s26;
	v7 =	vld.idx.msk [tilespmem:v0+s9+$0x0 ss:$0x1], $0xffff;
	p2 =	slt.s32 s10, s29;
	[tilespmem:s20+$0x0 ss:$0x81] =	vst.msk $0xffff, v1  }
0xe1: {  	v1 =	vld.idx.msk [tilespmem:v0+s26+$0x70 ss:$0x1], $0xffff;
	[tilespmem:s12+$0x0 ss:$0x81] =	vst.msk $0xffff, v2  }
0xe2: {  	v2 =	vld.idx.msk [tilespmem:v0+s26+$0x0 ss:$0x1], $0xffff;
	[tilespmem:s17+$0x0 ss:$0x81] =	vst.msk $0xffff, v3  }
0xe3: {  	v3 =	vld.idx.msk [tilespmem:v0+s26+$0x10 ss:$0x1], $0xffff;
	[tilespmem:s16+$0x0 ss:$0x81] =	vst.msk $0xffff, v5  }
0xe4: {  	v5 =	vld.idx.msk [tilespmem:v0+s26+$0x20 ss:$0x1], $0xffff;
	[tilespmem:s8+$0x0 ss:$0x81] =	vst.msk $0xffff, v6  }
0xe5: {  	v6 =	vld.idx.msk [tilespmem:v0+s26+$0x30 ss:$0x1], $0xffff;
	[tilespmem:s14+$0x0 ss:$0x81] =	vst.msk $0xffff, v4  }
0xe6: {  	v8 =	vld.idx.msk [tilespmem:v0+s26+$0x40 ss:$0x1], $0xffff;
	[tilespmem:s21+$0x0 ss:$0x81] =	vst.msk $0xffff, v7  }
0xe7: {  	v7 =	vld.idx.msk [tilespmem:v0+s26+$0x50 ss:$0x1], $0xffff;
	[tilespmem:s19+$0x0 ss:$0x81] =	vst.msk $0xffff, v1  }
0xe8: {  	[tilespmem:s21+$0x0 ss:$0x81] =	vst.msk $0xffff, v2;
	v9 =	vld.idx.msk [tilespmem:v0+s26+$0x60 ss:$0x1], $0xffff  }
0xe9: {  	[tilespmem:s22+$0x0 ss:$0x81] =	vst.msk $0xffff, v3;
	v4 =	vld.idx.msk [tilespmem:v0+s9+$0x10 ss:$0x1], $0xffff  }
.Ltmp13:
0xea: {  	[tilespmem:s23+$0x0 ss:$0x81] =	vst.msk $0xffff, v5;
	v1 =	vld.idx.msk [tilespmem:v0+s9+$0x20 ss:$0x1], $0xffff;
	(pc) =	sbr.rel @p2 .LBB1_10-.Ltmp13, $4  }
0xeb: {  	[tilespmem:s18+$0x0 ss:$0x81] =	vst.msk $0xffff, v6;
	v2 =	vld.idx.msk [tilespmem:v0+s9+$0x30 ss:$0x1], $0xffff  }
0xec: {  	[tilespmem:s17+$0x0 ss:$0x81] =	vst.msk $0xffff, v8;
	v3 =	vld.idx.msk [tilespmem:v0+s9+$0x40 ss:$0x1], $0xffff  }
0xed: {  	[tilespmem:s11+$0x0 ss:$0x81] =	vst.msk $0xffff, v7;
	v5 =	vld.idx.msk [tilespmem:v0+s9+$0x50 ss:$0x1], $0xffff  }
0xee: {  	s25 =	sadd.s32 $0x800, s25;
	[tilespmem:s13+$0x0 ss:$0x81] =	vst.msk $0xffff, v9;
	v6 =	vld.idx.msk [tilespmem:v0+s9+$0x60 ss:$0x1], $0xffff  }
.LBB1_11:
0xef: {  	_ =	sdelay $0x2  }
0xf0: {  	[tilespmem:s15+$0x0 ss:$0x81] =	vst.msk $0xffff, v4  }
0xf1: {  	v0 =	vld.idx.msk [tilespmem:v0+s9+$0x70 ss:$0x1], $0xffff;
	[tilespmem:s20+$0x0 ss:$0x81] =	vst.msk $0xffff, v1  }
0xf2: {  	[tilespmem:s12+$0x0 ss:$0x81] =	vst.msk $0xffff, v2  }
0xf3: {  	[tilespmem:s17+$0x0 ss:$0x81] =	vst.msk $0xffff, v3  }
0xf4: {  	[tilespmem:s16+$0x0 ss:$0x81] =	vst.msk $0xffff, v5  }
0xf5: {  	[tilespmem:s8+$0x0 ss:$0x81] =	vst.msk $0xffff, v6  }
0xf6: {  	[tilespmem:s14+$0x0 ss:$0x81] =	vst.msk $0xffff, v0  }
.LBB1_12:
.Ltmp14:
0xf7: {  	(pc) =	sbr.rel @p1 .LBB1_15-.Ltmp14, $1  }
0xf8: {  	_ =	sdelay $0x3  }
0xf9: {  	s9 =	sand.u32 $0x380, s6;
	s8 =	sshrl.u32 s4, $0x4;
	s10 =	sadd.s32 s24, s3  }
0xfa: {  	s11 =	smov.u32 s0;
	s12 =	smov.u32 s29;
	s9 =	sadd.s32 s9, s7  }
.LBB1_14:
0xfb: {  	s13 =	sand.u32 $0x3C00, s11  }
0xfc: {  	s13 =	sadd.s32 s6, s13  }
0xfd: {  	s13 =	sand.u32 $0x3C00, s13  }
0xfe: {  	s14 =	sand.u32 $0x70, s12;
	s25 =	sadd.s32 s12, s8;
	s13 =	sadd.s32 s13, s9  }
0xff: {  	s12 =	sadd.s32 $0x10, s12;
	s26 =	sand.u32 $0x78, s25;
	s13 =	sadd.s32 s14, s13  }
0x100: {  	p2 =	slt.s32 s12, s28;
	v0 =	vld [tilespmem:s13+$0x0];
	s13 =	smul.u32 $0x204, s26  }
.Ltmp15:
0x101: {  	_ = 	snop;
	(pc) =	sbr.rel @p2 .LBB1_14-.Ltmp15, $4  }
0x102: {  	_ = 	snop  }
0x103: {  	s13 =	sshrl.u32 s13, $0x2  }
0x104: {  	s13 =	sadd.s32 s13, s10  }
0x105: {  	s11 =	sadd.s32 $0x80, s11;
	[tilespmem:s13+$0x0 ss:$0x81] =	vst.msk $0xffff, v0  }
.Ltmp16:
0x106: {  	_ = 	snop;
	(pc) =	sbr.rel .LBB1_15-.Ltmp16, $1  }
0x107: {  	_ =	sdelay $0x3  }
.LBB1_20:
0x108: {  	_ =	sfence.sel $0x180000  }
0x109: {  	s0 =	simm.s32 $0x1;
	[bflag:$0x0] =	sbarrier.arrive $0xFFFF  }
0x10a: {  	s30 =	simm.s32 $0x2;
	[sflag:s0] =	ssyncpa.u1 $0x1  }
0x10b: {  	[sflag:s30] =	ssyncpa.u1 $0x1  }
0x10c: {  	_ =	strace $0x9000004A  }
0x10d: {  	s31 =	stileid.u32;
	[bflag:$0x2] =	sbarrier.arrive $0xFFFF  }
0x10e: {  	p0 =	sne.s32 s31, $0x0;
	s0 =	rddreg [dreg:$0x2]  }
0x10f: {  	s0 =	sadd.s32 @!p0 $0x100000, s0  }
0x110: {  	[sflag:s0] =	ssyncadd.tile.s32 @!p0 $0x1;
	_ =	shalt  }
.Lfunc_end1:
_tile_overlayer_lowered:
.L_overlay_start_2:
0x111: {  	(tag) =	ssettag $0x2  }
0x112: {  	s0 =	rddreg [dreg:$0x0];
	s2 =	stileid.u32  }
0x113: {  	s1 =	rddreg [dreg:$0x1];
	p0 =	sne.s32 s2, $0x0  }
0x114: {  	s3 =	rddreg [dreg:$0x2];
	[bflag:$0x3] =	sbarrier.arrive $0xFFFF;
	s2 =	simm.s32 @!p0 $0x1C01  }
0x115: {  	[timem:s3], [sflag:s2] =	dma.local @!p0 [hbm:s0], s1  }
0x116: {  	s0 =	simm.s32 @!p0 $0x1  }
0x117: {  	_ =	swait.ge @!p0 [sflag:s0], s1  }
0x118: {  	s1 =	ssub.s32 @!p0 $0x0, s1;
	[sflag:s0] =	ssyncset.done @!p0 $0x0  }
0x119: {  	[sflag:s0] =	ssyncadd.s32 @!p0 s1  }
0x11a: {  	[bflag:$0x3] =	sbarrier.arrive $0xFFFF  }
0x11b: {  	_ =	shalt  }

</sc_bundles>
